<compile_context>
chip_gen: v7x
topology: tpu7x:2x2x1
jax: 0.10.2.dev20260603
libtpu: 0.0.44.dev20260713+nightly
codegen_flags: <defaults>
</compile_context>

<pallas_src>
import functools

import jax
import jax.numpy as jnp
from jax import lax
from jax.experimental import pallas as pl
from jax.experimental.pallas import tpu as pltpu
from jax.experimental.pallas import tpu_sc as plsc

VOCAB = 1000000
DIM = 64
REG = 1e-06
N_NEG = 20

NC = 2
NS = 16
NW = NC * NS
L = 16

CB = 32
NEG_ROWS = CB * N_NEG
NIDX_ROWS = NEG_ROWS // 128

_MESH = dict(core_axis_name="c", subcore_axis_name="s")


def _sc_uv_kernel(U, V, u_pos, v_pos, vneg2, B):
    nb = B // NW
    nch = nb // CB
    nidx_per_w = nb * N_NEG // 128

    @functools.partial(
        pl.kernel,
        out_type=(
            jax.ShapeDtypeStruct((B, L), jnp.float32),
            jax.ShapeDtypeStruct((B, L), jnp.float32),
        ),
        mesh=plsc.VectorSubcoreMesh(**_MESH),
        scratch_types=[
            pltpu.VMEM((nb,), jnp.int32),
            pltpu.VMEM((nb,), jnp.int32),
            pltpu.VMEM((nidx_per_w, 128), jnp.int32),
            pltpu.VMEM((CB, 2 * DIM), jnp.float32),
            pltpu.VMEM((CB, 2 * DIM), jnp.float32),
            pltpu.VMEM((NEG_ROWS, 2 * DIM), jnp.float32),
            pltpu.VMEM((CB, L), jnp.float32),
            pltpu.VMEM((CB, L), jnp.float32),
            pltpu.SemaphoreType.DMA,
        ],
    )
    def k(u_hbm, v_hbm, up_hbm, vp_hbm, vn_hbm,
          pos_out, neg_out,
          uidx, vidx, nidx, urows, vrows, nrows, posb, negb, sem):
        wid = lax.axis_index("s") * NC + lax.axis_index("c")
        base = wid * nb
        zero = jnp.zeros((L,), jnp.float32)

        def b_body(b, carry):
            u = [urows[b, pl.ds(L * t, L)] for t in range(4)]
            v = [vrows[b, pl.ds(L * t, L)] for t in range(4)]
            posb[b, :] = u[0] * v[0] + u[1] * v[1] + u[2] * v[2] + u[3] * v[3]

            def n_body(n, accs):
                r = b * N_NEG + n
                return tuple(accs[t] + nrows[r, pl.ds(L * t, L)] for t in range(4))

            a = lax.fori_loop(0, N_NEG, n_body, (zero, zero, zero, zero))
            negb[b, :] = a[0] * u[0] + a[1] * u[1] + a[2] * u[2] + a[3] * u[3]
            return carry

        def c_body(ci, carry):
            b0 = base + ci * CB
            cb0 = ci * CB
            hs = [pltpu.async_copy(u_hbm.at[uidx.at[pl.ds(cb0, CB)]], urows, sem),
                  pltpu.async_copy(v_hbm.at[vidx.at[pl.ds(cb0, CB)]], vrows, sem)]
            for j in range(NIDX_ROWS):
                hs.append(pltpu.async_copy(v_hbm.at[nidx.at[ci * NIDX_ROWS + j]],
                                           nrows.at[pl.ds(j * 128, 128)], sem))
            for h in hs:
                h.wait()
            carry = lax.fori_loop(0, CB, b_body, carry)
            pltpu.sync_copy(posb, pos_out.at[pl.ds(b0, CB)])
            pltpu.sync_copy(negb, neg_out.at[pl.ds(b0, CB)])
            return carry

        pltpu.sync_copy(up_hbm.at[pl.ds(base, nb)], uidx)
        pltpu.sync_copy(vp_hbm.at[pl.ds(base, nb)], vidx)
        pltpu.sync_copy(vn_hbm.at[pl.ds(wid * nidx_per_w, nidx_per_w)], nidx)
        lax.fori_loop(0, nch, c_body, 0)

    return k(U, V, u_pos, v_pos, vneg2)


def _sc_reg_kernel(U, P, u_pos, B):
    nb = B // NW
    rcb = 64
    nch = nb // rcb

    @functools.partial(
        pl.kernel,
        out_type=jax.ShapeDtypeStruct((NW, L), jnp.float32),
        mesh=plsc.VectorSubcoreMesh(**_MESH),
        scratch_types=[
            pltpu.VMEM((nb,), jnp.int32),
            pltpu.VMEM((rcb, 2 * DIM), jnp.float32),
            pltpu.VMEM((rcb, 2 * DIM), jnp.float32),
            pltpu.VMEM((rcb, 2 * DIM), jnp.float32),
            pltpu.VMEM((rcb, 2 * DIM), jnp.float32),
            pltpu.VMEM((L,), jnp.float32),
            pltpu.SemaphoreType.DMA,
            pltpu.SemaphoreType.DMA,
        ],
    )
    def k(u_hbm, p_hbm, up_hbm, reg_out,
          uidx, urows0, prows0, urows1, prows1, regv, sem0, sem1):
        wid = lax.axis_index("s") * NC + lax.axis_index("c")
        base = wid * nb
        zero = jnp.zeros((L,), jnp.float32)
        bufs = ((urows0, prows0, sem0), (urows1, prows1, sem1))

        def issue(ci, s):
            urows, prows, sem = bufs[s]
            cb0 = ci * rcb
            pltpu.async_copy(u_hbm.at[uidx.at[pl.ds(cb0, rcb)]], urows, sem)
            pltpu.async_copy(p_hbm.at[uidx.at[pl.ds(cb0, rcb)]], prows, sem)

        def drain(ci, s):
            urows, prows, sem = bufs[s]
            cb0 = ci * rcb
            pltpu.make_async_copy(u_hbm.at[uidx.at[pl.ds(cb0, rcb)]], urows, sem).wait()
            pltpu.make_async_copy(p_hbm.at[uidx.at[pl.ds(cb0, rcb)]], prows, sem).wait()

        def compute(s, racc):
            urows, prows, _ = bufs[s]

            def b_body(b, racc):
                u = [urows[b, pl.ds(L * t, L)] for t in range(4)]
                pp = [prows[b, pl.ds(L * t, L)] for t in range(4)]
                return (racc + jnp.abs(u[0] - pp[0]) + jnp.abs(u[1] - pp[1])
                        + jnp.abs(u[2] - pp[2]) + jnp.abs(u[3] - pp[3]))

            return lax.fori_loop(0, rcb, b_body, racc)

        pltpu.sync_copy(up_hbm.at[pl.ds(base, nb)], uidx)
        issue(0, 0)

        def pair_body(cj, racc):
            ci = cj * 2
            issue(ci + 1, 1)
            drain(ci, 0)
            racc = compute(0, racc)
            nxt = jnp.minimum(ci + 2, nch - 1)
            issue(nxt, 0)
            drain(ci + 1, 1)
            return compute(1, racc)

        racc = lax.fori_loop(0, nch // 2, pair_body, zero)
        pltpu.make_async_copy(u_hbm.at[uidx.at[pl.ds(0, rcb)]], urows0, sem0).wait()
        pltpu.make_async_copy(p_hbm.at[uidx.at[pl.ds(0, rcb)]], prows0, sem0).wait()
        regv[...] = racc
        pltpu.sync_copy(regv, reg_out.at[wid])

    return k(U, P, u_pos)


def _tc_finalize(pos, neg, regp, B):
    def body(pos_ref, neg_ref, reg_ref, o_ref):
        s = jnp.sum(pos_ref[...], axis=1)
        t = jnp.sum(neg_ref[...], axis=1)
        ls = jnp.minimum(s, 0.0) - jnp.log1p(jnp.exp(-jnp.abs(s)))
        lt = jnp.minimum(-t, 0.0) - jnp.log1p(jnp.exp(-jnp.abs(t)))
        total = jnp.sum(ls + lt)
        reg = REG * jnp.sum(reg_ref[...])
        o_ref[...] = jnp.reshape(-(total / B) - reg, (1, 1))

    return pl.pallas_call(
        body, out_shape=jax.ShapeDtypeStruct((1, 1), jnp.float32),
    )(pos, neg, regp)


def kernel(U, V, pretrained, u_pos, v_pos, v_neg, batch_size):
    B = u_pos.shape[0]
    U1 = jnp.pad(U, ((0, 0), (0, DIM)))
    V1 = jnp.pad(V, ((0, 0), (0, DIM)))
    P1 = jnp.pad(pretrained, ((0, 0), (0, DIM)))
    up = u_pos.astype(jnp.int32)
    vp = v_pos.astype(jnp.int32)
    vn2 = v_neg.astype(jnp.int32).reshape(B * N_NEG // 128, 128)
    pos, neg = _sc_uv_kernel(U1, V1, up, vp, vn2, B)
    regp = _sc_reg_kernel(U1, P1, up, B)
    out = _tc_finalize(pos, neg, regp, B)
    return out[0, 0]

# --- scband reference (transcript-rebuilt; emitter-appended) ---
"""Pipeline reference for scband-skipgram-23708219474347 (READ-ONLY COPY).

The authoritative reference and input builder live on the scoring server;
editing this copy changes nothing except your own understanding.
"""

import jax, jax.numpy as jnp
import numpy as np

VOCAB = 1000000
DIM = 64
REG = 1e-06
BATCH = 16384
N_NEG = 20


def setup_inputs(seed: int = 0) -> dict:
    key = jax.random.key(seed)
    k1, k2, k3, k4, k5, k6 = jax.random.split(key, 6)
    initrange = 0.5 / DIM
    U = jax.random.uniform(k1, (VOCAB, DIM), minval=-initrange, maxval=initrange, dtype=jnp.float32)
    V = jax.random.uniform(k2, (VOCAB, DIM), minval=-initrange, maxval=initrange, dtype=jnp.float32)
    pretrained = jax.random.uniform(k3, (VOCAB, DIM), minval=-initrange, maxval=initrange, dtype=jnp.float32)
    u_pos = jax.random.randint(k4, (BATCH,), 0, VOCAB, dtype=jnp.int64) if jax.config.jax_enable_x64 else jax.random.randint(k4, (BATCH,), 0, VOCAB)
    v_pos = jax.random.randint(k5, (BATCH,), 0, VOCAB)
    v_neg = jax.random.randint(k6, (BATCH, N_NEG), 0, VOCAB)
    return {"U": U, "V": V, "pretrained": pretrained, "u_pos": u_pos, "v_pos": v_pos, "v_neg": v_neg, "batch_size": BATCH}


def reference(U, V, pretrained, u_pos, v_pos, v_neg, batch_size):
    # embedding gathers
    embed_u = jnp.take(U, u_pos, axis=0)            # [B, D]
    embed_v = jnp.take(V, v_pos, axis=0)            # [B, D]
    # positive score
    score = jnp.sum(embed_u * embed_v, axis=1)      # [B]
    log_target = jax.nn.log_sigmoid(score)          # [B]
    # negative samples
    neg_embed_v = jnp.take(V, v_neg, axis=0)        # [B, N, D]
    neg_score = jnp.einsum('bnd,bd->bn', neg_embed_v, embed_u)  # bmm then squeeze
    neg_score = jnp.sum(neg_score, axis=1)          # [B]
    sum_log_sampled = jax.nn.log_sigmoid(-1.0 * neg_score)      # [B]
    loss = log_target + sum_log_sampled             # [B]
    # L1 regularization loop over u_pos: sum_j reg * sum|U[j] - pretrained[j]|
    u_rows = jnp.take(U, u_pos, axis=0)
    p_rows = jnp.take(pretrained, u_pos, axis=0)
    reg_total = REG * jnp.sum(jnp.abs(u_rows - p_rows))
    loss = loss + reg_total                          # scalar broadcast-added to every element, as in the torch loop
    return -1.0 * jnp.sum(loss) / batch_size

if __name__ == "__main__":
    import jax
    _d = setup_inputs()
    print(jax.jit(kernel)(*tuple(_d.values())))

</pallas_src>

<mosaic_0001>
#map = affine_map<(d0, d1) -> (0, 0)>
#map1 = affine_map<(d0, d1) -> (0)>
module attributes {stable_mosaic.version = 14 : i64} {
  func.func @k(%arg0: i32, %arg1: i32, %arg2: memref<1000000x128xf32, #tpu.memory_space<hbm>>, %arg3: memref<1000000x128xf32, #tpu.memory_space<hbm>>, %arg4: memref<16384xi32, #tpu.memory_space<hbm>>, %arg5: memref<16384xi32, #tpu.memory_space<hbm>>, %arg6: memref<2560x128xi32, #tpu.memory_space<hbm>>, %arg7: memref<16384x16xf32, #tpu.memory_space<hbm>>, %arg8: memref<16384x16xf32, #tpu.memory_space<hbm>>, %arg9: memref<512xi32, #tpu.memory_space<vmem>>, %arg10: memref<512xi32, #tpu.memory_space<vmem>>, %arg11: memref<80x128xi32, #tpu.memory_space<vmem>>, %arg12: memref<32x128xf32, #tpu.memory_space<vmem>>, %arg13: memref<32x128xf32, #tpu.memory_space<vmem>>, %arg14: memref<640x128xf32, #tpu.memory_space<vmem>>, %arg15: memref<32x16xf32, #tpu.memory_space<vmem>>, %arg16: memref<32x16xf32, #tpu.memory_space<vmem>>, %arg17: memref<!tpu.dma_semaphore, #tpu.memory_space<semaphore_mem>>) attributes {dimension_semantics = [#tpu.dimension_semantics<core_parallel>, #tpu.dimension_semantics<subcore_parallel>], iteration_bounds = array<i64: 2, 16>, scalar_prefetch = 0 : i64, scratch_operands = 9 : i64, tpu.core_type = #tpu.core_type<sc_vector_subcore>, window_params = [{transform_indices = #map}, {transform_indices = #map}, {transform_indices = #map1}, {transform_indices = #map1}, {transform_indices = #map}, {transform_indices = #map}, {transform_indices = #map}]} {
    %mul3A = arith.constant 2 : i32
    %mul3A_0 = arith.muli %arg1, %mul3A : i32
    %add3A = arith.addi %mul3A_0, %arg0 : i32
    %mul3A_1 = arith.constant 512 : i32
    %mul3A_2 = arith.muli %add3A, %mul3A_1 : i32
    %broadcast_in_dim3A = arith.constant 0.000000e+00 : f32
    %broadcast_in_dim3A_3 = vector.broadcast %broadcast_in_dim3A : f32 to vector<16xf32>
    "tpu.region"() ({
      %run_scoped3A = tpu.sem_alloc : memref<!tpu.dma_semaphore, #tpu.memory_space<semaphore_mem>>
      %dma_start3A = tpu.memref_slice %arg4[%mul3A_2] : memref<16384xi32, #tpu.memory_space<hbm>> -> memref<512xi32, #tpu.memory_space<hbm>>
      %dma_start3A_11 = tpu.memref_slice %arg4[%mul3A_2] : memref<16384xi32, #tpu.memory_space<hbm>> -> memref<512xi32, #tpu.memory_space<hbm>>
      tpu.enqueue_dma source(%dma_start3A_11 : memref<512xi32, #tpu.memory_space<hbm>>) target(%arg9 : memref<512xi32, #tpu.memory_space<vmem>>) target_semaphore(%run_scoped3A : memref<!tpu.dma_semaphore, #tpu.memory_space<semaphore_mem>>)
      %dma_wait3A = tpu.memref_slice %arg4[%mul3A_2] : memref<16384xi32, #tpu.memory_space<hbm>> -> memref<512xi32, #tpu.memory_space<hbm>>
      %dma_wait3A_12 = tpu.memref_slice %arg4[%mul3A_2] : memref<16384xi32, #tpu.memory_space<hbm>> -> memref<512xi32, #tpu.memory_space<hbm>>
      tpu.wait_dma2 semaphore(%run_scoped3A : memref<!tpu.dma_semaphore, #tpu.memory_space<semaphore_mem>>) src(%dma_wait3A_12 : memref<512xi32, #tpu.memory_space<hbm>>) dst(%arg9 : memref<512xi32, #tpu.memory_space<vmem>>)
      tpu.yield
    }) : () -> ()
    "tpu.region"() ({
      %run_scoped3A = tpu.sem_alloc : memref<!tpu.dma_semaphore, #tpu.memory_space<semaphore_mem>>
      %dma_start3A = tpu.memref_slice %arg5[%mul3A_2] : memref<16384xi32, #tpu.memory_space<hbm>> -> memref<512xi32, #tpu.memory_space<hbm>>
      %dma_start3A_11 = tpu.memref_slice %arg5[%mul3A_2] : memref<16384xi32, #tpu.memory_space<hbm>> -> memref<512xi32, #tpu.memory_space<hbm>>
      tpu.enqueue_dma source(%dma_start3A_11 : memref<512xi32, #tpu.memory_space<hbm>>) target(%arg10 : memref<512xi32, #tpu.memory_space<vmem>>) target_semaphore(%run_scoped3A : memref<!tpu.dma_semaphore, #tpu.memory_space<semaphore_mem>>)
      %dma_wait3A = tpu.memref_slice %arg5[%mul3A_2] : memref<16384xi32, #tpu.memory_space<hbm>> -> memref<512xi32, #tpu.memory_space<hbm>>
      %dma_wait3A_12 = tpu.memref_slice %arg5[%mul3A_2] : memref<16384xi32, #tpu.memory_space<hbm>> -> memref<512xi32, #tpu.memory_space<hbm>>
      tpu.wait_dma2 semaphore(%run_scoped3A : memref<!tpu.dma_semaphore, #tpu.memory_space<semaphore_mem>>) src(%dma_wait3A_12 : memref<512xi32, #tpu.memory_space<hbm>>) dst(%arg10 : memref<512xi32, #tpu.memory_space<vmem>>)
      tpu.yield
    }) : () -> ()
    %mul3A_4 = arith.constant 80 : i32
    %mul3A_5 = arith.muli %add3A, %mul3A_4 : i32
    "tpu.region"() ({
      %run_scoped3A = tpu.sem_alloc : memref<!tpu.dma_semaphore, #tpu.memory_space<semaphore_mem>>
      %dma_start3A = arith.constant 0 : i32
      %dma_start3A_11 = tpu.memref_slice %arg6[%mul3A_5, %dma_start3A] : memref<2560x128xi32, #tpu.memory_space<hbm>> -> memref<80x128xi32, #tpu.memory_space<hbm>>
      %dma_start3A_12 = arith.constant 0 : i32
      %dma_start3A_13 = tpu.memref_slice %arg6[%mul3A_5, %dma_start3A_12] : memref<2560x128xi32, #tpu.memory_space<hbm>> -> memref<80x128xi32, #tpu.memory_space<hbm>>
      tpu.enqueue_dma source(%dma_start3A_13 : memref<80x128xi32, #tpu.memory_space<hbm>>) target(%arg11 : memref<80x128xi32, #tpu.memory_space<vmem>>) target_semaphore(%run_scoped3A : memref<!tpu.dma_semaphore, #tpu.memory_space<semaphore_mem>>)
      %dma_wait3A = arith.constant 0 : i32
      %dma_wait3A_14 = tpu.memref_slice %arg6[%mul3A_5, %dma_wait3A] : memref<2560x128xi32, #tpu.memory_space<hbm>> -> memref<80x128xi32, #tpu.memory_space<hbm>>
      %dma_wait3A_15 = arith.constant 0 : i32
      %dma_wait3A_16 = tpu.memref_slice %arg6[%mul3A_5, %dma_wait3A_15] : memref<2560x128xi32, #tpu.memory_space<hbm>> -> memref<80x128xi32, #tpu.memory_space<hbm>>
      tpu.wait_dma2 semaphore(%run_scoped3A : memref<!tpu.dma_semaphore, #tpu.memory_space<semaphore_mem>>) src(%dma_wait3A_16 : memref<80x128xi32, #tpu.memory_space<hbm>>) dst(%arg11 : memref<80x128xi32, #tpu.memory_space<vmem>>)
      tpu.yield
    }) : () -> ()
    %scan3A = arith.constant 0 : i32
    %scan3A_6 = arith.constant 0 : i32
    %scan3A_7 = arith.constant 16 : i32
    %scan3A_8 = arith.addi %scan3A_6, %scan3A_7 : i32
    %scan3A_9 = arith.constant 1 : i32
    scf.for %scan3A_11 = %scan3A_6 to %scan3A_8 step %scan3A_9  : i32 {
      %mul3A_12 = arith.constant 32 : i32
      %mul3A_13 = arith.muli %scan3A_11, %mul3A_12 : i32
      %add3A_14 = arith.addi %mul3A_2, %mul3A_13 : i32
      %mul3A_15 = arith.constant 32 : i32
      %mul3A_16 = arith.muli %scan3A_11, %mul3A_15 : i32
      %dma_start3A = tpu.memref_slice %arg9[%mul3A_16] : memref<512xi32, #tpu.memory_space<vmem>> -> memref<32xi32, #tpu.memory_space<vmem>>
      %dma_start3A_17 = arith.constant 0 : i32
      %dma_start3A_18 = arith.constant 0 : i32
      %dma_start3A_19 = tpu.memref_slice %arg2[%dma_start3A_17, %dma_start3A_18] : memref<1000000x128xf32, #tpu.memory_space<hbm>> -> memref<1000000x128xf32, #tpu.memory_space<hbm>>
      tpu.enqueue_indirect_dma source(%dma_start3A_19 : memref<1000000x128xf32, #tpu.memory_space<hbm>>) target(%arg12 : memref<32x128xf32, #tpu.memory_space<vmem>>) offsets(%dma_start3A : memref<32xi32, #tpu.memory_space<vmem>>) semaphore(%arg17 : memref<!tpu.dma_semaphore, #tpu.memory_space<semaphore_mem>>)
      %dma_start3A_20 = tpu.memref_slice %arg10[%mul3A_16] : memref<512xi32, #tpu.memory_space<vmem>> -> memref<32xi32, #tpu.memory_space<vmem>>
      %dma_start3A_21 = arith.constant 0 : i32
      %dma_start3A_22 = arith.constant 0 : i32
      %dma_start3A_23 = tpu.memref_slice %arg3[%dma_start3A_21, %dma_start3A_22] : memref<1000000x128xf32, #tpu.memory_space<hbm>> -> memref<1000000x128xf32, #tpu.memory_space<hbm>>
      tpu.enqueue_indirect_dma source(%dma_start3A_23 : memref<1000000x128xf32, #tpu.memory_space<hbm>>) target(%arg13 : memref<32x128xf32, #tpu.memory_space<vmem>>) offsets(%dma_start3A_20 : memref<32xi32, #tpu.memory_space<vmem>>) semaphore(%arg17 : memref<!tpu.dma_semaphore, #tpu.memory_space<semaphore_mem>>)
      %mul3A_24 = arith.constant 5 : i32
      %mul3A_25 = arith.muli %scan3A_11, %mul3A_24 : i32
      %add3A_26 = arith.constant 0 : i32
      %add3A_27 = arith.addi %mul3A_25, %add3A_26 : i32
      %dma_start3A_28 = arith.constant 0 : i32
      %dma_start3A_29 = arith.constant 0 : i32
      %dma_start3A_30 = tpu.memref_slice %arg14[%dma_start3A_28, %dma_start3A_29] : memref<640x128xf32, #tpu.memory_space<vmem>> -> memref<128x128xf32, #tpu.memory_space<vmem>>
      %dma_start3A_31 = arith.constant 0 : i32
      %dma_start3A_32 = tpu.memref_slice %arg11[%add3A_27, %dma_start3A_31] : memref<80x128xi32, #tpu.memory_space<vmem>> -> memref<1x128xi32, #tpu.memory_space<vmem>>
      %dma_start3A_33 = tpu.memref_squeeze %dma_start3A_32 : memref<1x128xi32, #tpu.memory_space<vmem>> -> memref<128xi32, #tpu.memory_space<vmem>>
      %dma_start3A_34 = arith.constant 0 : i32
      %dma_start3A_35 = arith.constant 0 : i32
      %dma_start3A_36 = tpu.memref_slice %arg3[%dma_start3A_34, %dma_start3A_35] : memref<1000000x128xf32, #tpu.memory_space<hbm>> -> memref<1000000x128xf32, #tpu.memory_space<hbm>>
      tpu.enqueue_indirect_dma source(%dma_start3A_36 : memref<1000000x128xf32, #tpu.memory_space<hbm>>) target(%dma_start3A_30 : memref<128x128xf32, #tpu.memory_space<vmem>>) offsets(%dma_start3A_33 : memref<128xi32, #tpu.memory_space<vmem>>) semaphore(%arg17 : memref<!tpu.dma_semaphore, #tpu.memory_space<semaphore_mem>>)
      %mul3A_37 = arith.constant 5 : i32
      %mul3A_38 = arith.muli %scan3A_11, %mul3A_37 : i32
      %add3A_39 = arith.constant 1 : i32
      %add3A_40 = arith.addi %mul3A_38, %add3A_39 : i32
      %dma_start3A_41 = arith.constant 128 : i32
      %dma_start3A_42 = arith.constant 0 : i32
      %dma_start3A_43 = tpu.memref_slice %arg14[%dma_start3A_41, %dma_start3A_42] : memref<640x128xf32, #tpu.memory_space<vmem>> -> memref<128x128xf32, #tpu.memory_space<vmem>>
      %dma_start3A_44 = arith.constant 0 : i32
      %dma_start3A_45 = tpu.memref_slice %arg11[%add3A_40, %dma_start3A_44] : memref<80x128xi32, #tpu.memory_space<vmem>> -> memref<1x128xi32, #tpu.memory_space<vmem>>
      %dma_start3A_46 = tpu.memref_squeeze %dma_start3A_45 : memref<1x128xi32, #tpu.memory_space<vmem>> -> memref<128xi32, #tpu.memory_space<vmem>>
      %dma_start3A_47 = arith.constant 0 : i32
      %dma_start3A_48 = arith.constant 0 : i32
      %dma_start3A_49 = tpu.memref_slice %arg3[%dma_start3A_47, %dma_start3A_48] : memref<1000000x128xf32, #tpu.memory_space<hbm>> -> memref<1000000x128xf32, #tpu.memory_space<hbm>>
      tpu.enqueue_indirect_dma source(%dma_start3A_49 : memref<1000000x128xf32, #tpu.memory_space<hbm>>) target(%dma_start3A_43 : memref<128x128xf32, #tpu.memory_space<vmem>>) offsets(%dma_start3A_46 : memref<128xi32, #tpu.memory_space<vmem>>) semaphore(%arg17 : memref<!tpu.dma_semaphore, #tpu.memory_space<semaphore_mem>>)
      %mul3A_50 = arith.constant 5 : i32
      %mul3A_51 = arith.muli %scan3A_11, %mul3A_50 : i32
      %add3A_52 = arith.constant 2 : i32
      %add3A_53 = arith.addi %mul3A_51, %add3A_52 : i32
      %dma_start3A_54 = arith.constant 256 : i32
      %dma_start3A_55 = arith.constant 0 : i32
      %dma_start3A_56 = tpu.memref_slice %arg14[%dma_start3A_54, %dma_start3A_55] : memref<640x128xf32, #tpu.memory_space<vmem>> -> memref<128x128xf32, #tpu.memory_space<vmem>>
      %dma_start3A_57 = arith.constant 0 : i32
      %dma_start3A_58 = tpu.memref_slice %arg11[%add3A_53, %dma_start3A_57] : memref<80x128xi32, #tpu.memory_space<vmem>> -> memref<1x128xi32, #tpu.memory_space<vmem>>
      %dma_start3A_59 = tpu.memref_squeeze %dma_start3A_58 : memref<1x128xi32, #tpu.memory_space<vmem>> -> memref<128xi32, #tpu.memory_space<vmem>>
      %dma_start3A_60 = arith.constant 0 : i32
      %dma_start3A_61 = arith.constant 0 : i32
      %dma_start3A_62 = tpu.memref_slice %arg3[%dma_start3A_60, %dma_start3A_61] : memref<1000000x128xf32, #tpu.memory_space<hbm>> -> memref<1000000x128xf32, #tpu.memory_space<hbm>>
      tpu.enqueue_indirect_dma source(%dma_start3A_62 : memref<1000000x128xf32, #tpu.memory_space<hbm>>) target(%dma_start3A_56 : memref<128x128xf32, #tpu.memory_space<vmem>>) offsets(%dma_start3A_59 : memref<128xi32, #tpu.memory_space<vmem>>) semaphore(%arg17 : memref<!tpu.dma_semaphore, #tpu.memory_space<semaphore_mem>>)
      %mul3A_63 = arith.constant 5 : i32
      %mul3A_64 = arith.muli %scan3A_11, %mul3A_63 : i32
      %add3A_65 = arith.constant 3 : i32
      %add3A_66 = arith.addi %mul3A_64, %add3A_65 : i32
      %dma_start3A_67 = arith.constant 384 : i32
      %dma_start3A_68 = arith.constant 0 : i32
      %dma_start3A_69 = tpu.memref_slice %arg14[%dma_start3A_67, %dma_start3A_68] : memref<640x128xf32, #tpu.memory_space<vmem>> -> memref<128x128xf32, #tpu.memory_space<vmem>>
      %dma_start3A_70 = arith.constant 0 : i32
      %dma_start3A_71 = tpu.memref_slice %arg11[%add3A_66, %dma_start3A_70] : memref<80x128xi32, #tpu.memory_space<vmem>> -> memref<1x128xi32, #tpu.memory_space<vmem>>
      %dma_start3A_72 = tpu.memref_squeeze %dma_start3A_71 : memref<1x128xi32, #tpu.memory_space<vmem>> -> memref<128xi32, #tpu.memory_space<vmem>>
      %dma_start3A_73 = arith.constant 0 : i32
      %dma_start3A_74 = arith.constant 0 : i32
      %dma_start3A_75 = tpu.memref_slice %arg3[%dma_start3A_73, %dma_start3A_74] : memref<1000000x128xf32, #tpu.memory_space<hbm>> -> memref<1000000x128xf32, #tpu.memory_space<hbm>>
      tpu.enqueue_indirect_dma source(%dma_start3A_75 : memref<1000000x128xf32, #tpu.memory_space<hbm>>) target(%dma_start3A_69 : memref<128x128xf32, #tpu.memory_space<vmem>>) offsets(%dma_start3A_72 : memref<128xi32, #tpu.memory_space<vmem>>) semaphore(%arg17 : memref<!tpu.dma_semaphore, #tpu.memory_space<semaphore_mem>>)
      %mul3A_76 = arith.constant 5 : i32
      %mul3A_77 = arith.muli %scan3A_11, %mul3A_76 : i32
      %add3A_78 = arith.constant 4 : i32
      %add3A_79 = arith.addi %mul3A_77, %add3A_78 : i32
      %dma_start3A_80 = arith.constant 512 : i32
      %dma_start3A_81 = arith.constant 0 : i32
      %dma_start3A_82 = tpu.memref_slice %arg14[%dma_start3A_80, %dma_start3A_81] : memref<640x128xf32, #tpu.memory_space<vmem>> -> memref<128x128xf32, #tpu.memory_space<vmem>>
      %dma_start3A_83 = arith.constant 0 : i32
      %dma_start3A_84 = tpu.memref_slice %arg11[%add3A_79, %dma_start3A_83] : memref<80x128xi32, #tpu.memory_space<vmem>> -> memref<1x128xi32, #tpu.memory_space<vmem>>
      %dma_start3A_85 = tpu.memref_squeeze %dma_start3A_84 : memref<1x128xi32, #tpu.memory_space<vmem>> -> memref<128xi32, #tpu.memory_space<vmem>>
      %dma_start3A_86 = arith.constant 0 : i32
      %dma_start3A_87 = arith.constant 0 : i32
      %dma_start3A_88 = tpu.memref_slice %arg3[%dma_start3A_86, %dma_start3A_87] : memref<1000000x128xf32, #tpu.memory_space<hbm>> -> memref<1000000x128xf32, #tpu.memory_space<hbm>>
      tpu.enqueue_indirect_dma source(%dma_start3A_88 : memref<1000000x128xf32, #tpu.memory_space<hbm>>) target(%dma_start3A_82 : memref<128x128xf32, #tpu.memory_space<vmem>>) offsets(%dma_start3A_85 : memref<128xi32, #tpu.memory_space<vmem>>) semaphore(%arg17 : memref<!tpu.dma_semaphore, #tpu.memory_space<semaphore_mem>>)
      %dma_wait3A = tpu.memref_slice %arg9[%mul3A_16] : memref<512xi32, #tpu.memory_space<vmem>> -> memref<32xi32, #tpu.memory_space<vmem>>
      %dma_wait3A_89 = arith.constant 0 : i32
      %dma_wait3A_90 = arith.constant 0 : i32
      %dma_wait3A_91 = tpu.memref_slice %arg2[%dma_wait3A_89, %dma_wait3A_90] : memref<1000000x128xf32, #tpu.memory_space<hbm>> -> memref<1000000x128xf32, #tpu.memory_space<hbm>>
      tpu.wait_indirect_dma semaphore(%arg17 : memref<!tpu.dma_semaphore, #tpu.memory_space<semaphore_mem>>) src(%dma_wait3A_91 : memref<1000000x128xf32, #tpu.memory_space<hbm>>) dst(%arg12 : memref<32x128xf32, #tpu.memory_space<vmem>>)
      %dma_wait3A_92 = tpu.memref_slice %arg10[%mul3A_16] : memref<512xi32, #tpu.memory_space<vmem>> -> memref<32xi32, #tpu.memory_space<vmem>>
      %dma_wait3A_93 = arith.constant 0 : i32
      %dma_wait3A_94 = arith.constant 0 : i32
      %dma_wait3A_95 = tpu.memref_slice %arg3[%dma_wait3A_93, %dma_wait3A_94] : memref<1000000x128xf32, #tpu.memory_space<hbm>> -> memref<1000000x128xf32, #tpu.memory_space<hbm>>
      tpu.wait_indirect_dma semaphore(%arg17 : memref<!tpu.dma_semaphore, #tpu.memory_space<semaphore_mem>>) src(%dma_wait3A_95 : memref<1000000x128xf32, #tpu.memory_space<hbm>>) dst(%arg13 : memref<32x128xf32, #tpu.memory_space<vmem>>)
      %dma_wait3A_96 = arith.constant 0 : i32
      %dma_wait3A_97 = arith.constant 0 : i32
      %dma_wait3A_98 = tpu.memref_slice %arg14[%dma_wait3A_96, %dma_wait3A_97] : memref<640x128xf32, #tpu.memory_space<vmem>> -> memref<128x128xf32, #tpu.memory_space<vmem>>
      %dma_wait3A_99 = arith.constant 0 : i32
      %dma_wait3A_100 = tpu.memref_slice %arg11[%add3A_27, %dma_wait3A_99] : memref<80x128xi32, #tpu.memory_space<vmem>> -> memref<1x128xi32, #tpu.memory_space<vmem>>
      %dma_wait3A_101 = tpu.memref_squeeze %dma_wait3A_100 : memref<1x128xi32, #tpu.memory_space<vmem>> -> memref<128xi32, #tpu.memory_space<vmem>>
      %dma_wait3A_102 = arith.constant 0 : i32
      %dma_wait3A_103 = arith.constant 0 : i32
      %dma_wait3A_104 = tpu.memref_slice %arg3[%dma_wait3A_102, %dma_wait3A_103] : memref<1000000x128xf32, #tpu.memory_space<hbm>> -> memref<1000000x128xf32, #tpu.memory_space<hbm>>
      tpu.wait_indirect_dma semaphore(%arg17 : memref<!tpu.dma_semaphore, #tpu.memory_space<semaphore_mem>>) src(%dma_wait3A_104 : memref<1000000x128xf32, #tpu.memory_space<hbm>>) dst(%dma_wait3A_98 : memref<128x128xf32, #tpu.memory_space<vmem>>)
      %dma_wait3A_105 = arith.constant 128 : i32
      %dma_wait3A_106 = arith.constant 0 : i32
      %dma_wait3A_107 = tpu.memref_slice %arg14[%dma_wait3A_105, %dma_wait3A_106] : memref<640x128xf32, #tpu.memory_space<vmem>> -> memref<128x128xf32, #tpu.memory_space<vmem>>
      %dma_wait3A_108 = arith.constant 0 : i32
      %dma_wait3A_109 = tpu.memref_slice %arg11[%add3A_40, %dma_wait3A_108] : memref<80x128xi32, #tpu.memory_space<vmem>> -> memref<1x128xi32, #tpu.memory_space<vmem>>
      %dma_wait3A_110 = tpu.memref_squeeze %dma_wait3A_109 : memref<1x128xi32, #tpu.memory_space<vmem>> -> memref<128xi32, #tpu.memory_space<vmem>>
      %dma_wait3A_111 = arith.constant 0 : i32
      %dma_wait3A_112 = arith.constant 0 : i32
      %dma_wait3A_113 = tpu.memref_slice %arg3[%dma_wait3A_111, %dma_wait3A_112] : memref<1000000x128xf32, #tpu.memory_space<hbm>> -> memref<1000000x128xf32, #tpu.memory_space<hbm>>
      tpu.wait_indirect_dma semaphore(%arg17 : memref<!tpu.dma_semaphore, #tpu.memory_space<semaphore_mem>>) src(%dma_wait3A_113 : memref<1000000x128xf32, #tpu.memory_space<hbm>>) dst(%dma_wait3A_107 : memref<128x128xf32, #tpu.memory_space<vmem>>)
      %dma_wait3A_114 = arith.constant 256 : i32
      %dma_wait3A_115 = arith.constant 0 : i32
      %dma_wait3A_116 = tpu.memref_slice %arg14[%dma_wait3A_114, %dma_wait3A_115] : memref<640x128xf32, #tpu.memory_space<vmem>> -> memref<128x128xf32, #tpu.memory_space<vmem>>
      %dma_wait3A_117 = arith.constant 0 : i32
      %dma_wait3A_118 = tpu.memref_slice %arg11[%add3A_53, %dma_wait3A_117] : memref<80x128xi32, #tpu.memory_space<vmem>> -> memref<1x128xi32, #tpu.memory_space<vmem>>
      %dma_wait3A_119 = tpu.memref_squeeze %dma_wait3A_118 : memref<1x128xi32, #tpu.memory_space<vmem>> -> memref<128xi32, #tpu.memory_space<vmem>>
      %dma_wait3A_120 = arith.constant 0 : i32
      %dma_wait3A_121 = arith.constant 0 : i32
      %dma_wait3A_122 = tpu.memref_slice %arg3[%dma_wait3A_120, %dma_wait3A_121] : memref<1000000x128xf32, #tpu.memory_space<hbm>> -> memref<1000000x128xf32, #tpu.memory_space<hbm>>
      tpu.wait_indirect_dma semaphore(%arg17 : memref<!tpu.dma_semaphore, #tpu.memory_space<semaphore_mem>>) src(%dma_wait3A_122 : memref<1000000x128xf32, #tpu.memory_space<hbm>>) dst(%dma_wait3A_116 : memref<128x128xf32, #tpu.memory_space<vmem>>)
      %dma_wait3A_123 = arith.constant 384 : i32
      %dma_wait3A_124 = arith.constant 0 : i32
      %dma_wait3A_125 = tpu.memref_slice %arg14[%dma_wait3A_123, %dma_wait3A_124] : memref<640x128xf32, #tpu.memory_space<vmem>> -> memref<128x128xf32, #tpu.memory_space<vmem>>
      %dma_wait3A_126 = arith.constant 0 : i32
      %dma_wait3A_127 = tpu.memref_slice %arg11[%add3A_66, %dma_wait3A_126] : memref<80x128xi32, #tpu.memory_space<vmem>> -> memref<1x128xi32, #tpu.memory_space<vmem>>
      %dma_wait3A_128 = tpu.memref_squeeze %dma_wait3A_127 : memref<1x128xi32, #tpu.memory_space<vmem>> -> memref<128xi32, #tpu.memory_space<vmem>>
      %dma_wait3A_129 = arith.constant 0 : i32
      %dma_wait3A_130 = arith.constant 0 : i32
      %dma_wait3A_131 = tpu.memref_slice %arg3[%dma_wait3A_129, %dma_wait3A_130] : memref<1000000x128xf32, #tpu.memory_space<hbm>> -> memref<1000000x128xf32, #tpu.memory_space<hbm>>
      tpu.wait_indirect_dma semaphore(%arg17 : memref<!tpu.dma_semaphore, #tpu.memory_space<semaphore_mem>>) src(%dma_wait3A_131 : memref<1000000x128xf32, #tpu.memory_space<hbm>>) dst(%dma_wait3A_125 : memref<128x128xf32, #tpu.memory_space<vmem>>)
      %dma_wait3A_132 = arith.constant 512 : i32
      %dma_wait3A_133 = arith.constant 0 : i32
      %dma_wait3A_134 = tpu.memref_slice %arg14[%dma_wait3A_132, %dma_wait3A_133] : memref<640x128xf32, #tpu.memory_space<vmem>> -> memref<128x128xf32, #tpu.memory_space<vmem>>
      %dma_wait3A_135 = arith.constant 0 : i32
      %dma_wait3A_136 = tpu.memref_slice %arg11[%add3A_79, %dma_wait3A_135] : memref<80x128xi32, #tpu.memory_space<vmem>> -> memref<1x128xi32, #tpu.memory_space<vmem>>
      %dma_wait3A_137 = tpu.memref_squeeze %dma_wait3A_136 : memref<1x128xi32, #tpu.memory_space<vmem>> -> memref<128xi32, #tpu.memory_space<vmem>>
      %dma_wait3A_138 = arith.constant 0 : i32
      %dma_wait3A_139 = arith.constant 0 : i32
      %dma_wait3A_140 = tpu.memref_slice %arg3[%dma_wait3A_138, %dma_wait3A_139] : memref<1000000x128xf32, #tpu.memory_space<hbm>> -> memref<1000000x128xf32, #tpu.memory_space<hbm>>
      tpu.wait_indirect_dma semaphore(%arg17 : memref<!tpu.dma_semaphore, #tpu.memory_space<semaphore_mem>>) src(%dma_wait3A_140 : memref<1000000x128xf32, #tpu.memory_space<hbm>>) dst(%dma_wait3A_134 : memref<128x128xf32, #tpu.memory_space<vmem>>)
      %scan3A_141 = arith.constant 0 : i32
      %scan3A_142 = arith.constant 32 : i32
      %scan3A_143 = arith.addi %scan3A_141, %scan3A_142 : i32
      %scan3A_144 = arith.constant 1 : i32
      scf.for %scan3A_146 = %scan3A_141 to %scan3A_143 step %scan3A_144  : i32 {
        %get3A = arith.index_cast %scan3A_146 : i32 to index
        %get3A_147 = arith.constant 0 : index
        %get3A_148 = tpu.vector_load %arg12[%get3A, %get3A_147] {strides = array<i32>} : memref<32x128xf32, #tpu.memory_space<vmem>>, vector<1x16xf32>,
        %get3A_149 = vector.shape_cast %get3A_148 : vector<1x16xf32> to vector<16xf32>
        %get3A_150 = arith.index_cast %scan3A_146 : i32 to index
        %get3A_151 = arith.constant 16 : index
        %get3A_152 = tpu.vector_load %arg12[%get3A_150, %get3A_151] {strides = array<i32>} : memref<32x128xf32, #tpu.memory_space<vmem>>, vector<1x16xf32>,
        %get3A_153 = vector.shape_cast %get3A_152 : vector<1x16xf32> to vector<16xf32>
        %get3A_154 = arith.index_cast %scan3A_146 : i32 to index
        %get3A_155 = arith.constant 32 : index
        %get3A_156 = tpu.vector_load %arg12[%get3A_154, %get3A_155] {strides = array<i32>} : memref<32x128xf32, #tpu.memory_space<vmem>>, vector<1x16xf32>,
        %get3A_157 = vector.shape_cast %get3A_156 : vector<1x16xf32> to vector<16xf32>
        %get3A_158 = arith.index_cast %scan3A_146 : i32 to index
        %get3A_159 = arith.constant 48 : index
        %get3A_160 = tpu.vector_load %arg12[%get3A_158, %get3A_159] {strides = array<i32>} : memref<32x128xf32, #tpu.memory_space<vmem>>, vector<1x16xf32>,
        %get3A_161 = vector.shape_cast %get3A_160 : vector<1x16xf32> to vector<16xf32>
        %get3A_162 = arith.index_cast %scan3A_146 : i32 to index
        %get3A_163 = arith.constant 0 : index
        %get3A_164 = tpu.vector_load %arg13[%get3A_162, %get3A_163] {strides = array<i32>} : memref<32x128xf32, #tpu.memory_space<vmem>>, vector<1x16xf32>,
        %get3A_165 = vector.shape_cast %get3A_164 : vector<1x16xf32> to vector<16xf32>
        %get3A_166 = arith.index_cast %scan3A_146 : i32 to index
        %get3A_167 = arith.constant 16 : index
        %get3A_168 = tpu.vector_load %arg13[%get3A_166, %get3A_167] {strides = array<i32>} : memref<32x128xf32, #tpu.memory_space<vmem>>, vector<1x16xf32>,
        %get3A_169 = vector.shape_cast %get3A_168 : vector<1x16xf32> to vector<16xf32>
        %get3A_170 = arith.index_cast %scan3A_146 : i32 to index
        %get3A_171 = arith.constant 32 : index
        %get3A_172 = tpu.vector_load %arg13[%get3A_170, %get3A_171] {strides = array<i32>} : memref<32x128xf32, #tpu.memory_space<vmem>>, vector<1x16xf32>,
        %get3A_173 = vector.shape_cast %get3A_172 : vector<1x16xf32> to vector<16xf32>
        %get3A_174 = arith.index_cast %scan3A_146 : i32 to index
        %get3A_175 = arith.constant 48 : index
        %get3A_176 = tpu.vector_load %arg13[%get3A_174, %get3A_175] {strides = array<i32>} : memref<32x128xf32, #tpu.memory_space<vmem>>, vector<1x16xf32>,
        %get3A_177 = vector.shape_cast %get3A_176 : vector<1x16xf32> to vector<16xf32>
        %mul3A_178 = arith.mulf %get3A_149, %get3A_165 : vector<16xf32>
        %mul3A_179 = arith.mulf %get3A_153, %get3A_169 : vector<16xf32>
        %add3A_180 = arith.addf %mul3A_178, %mul3A_179 : vector<16xf32>
        %mul3A_181 = arith.mulf %get3A_157, %get3A_173 : vector<16xf32>
        %add3A_182 = arith.addf %add3A_180, %mul3A_181 : vector<16xf32>
        %mul3A_183 = arith.mulf %get3A_161, %get3A_177 : vector<16xf32>
        %add3A_184 = arith.addf %add3A_182, %mul3A_183 : vector<16xf32>
        %swap3A = arith.index_cast %scan3A_146 : i32 to index
        %swap3A_185 = arith.constant 0 : index
        %swap3A_186 = tpu.vector_load %arg15[%swap3A, %swap3A_185] {strides = array<i32>} : memref<32x16xf32, #tpu.memory_space<vmem>>, vector<1x16xf32>,
        %swap3A_187 = vector.shape_cast %swap3A_186 : vector<1x16xf32> to vector<16xf32>
        %swap3A_188 = vector.shape_cast %add3A_184 : vector<16xf32> to vector<1x16xf32>
        tpu.vector_store %arg15[%swap3A, %swap3A_185], %swap3A_188 {strides = array<i32>} : memref<32x16xf32, #tpu.memory_space<vmem>>, vector<1x16xf32>,
        %scan3A_189 = arith.constant 0 : i32
        %scan3A_190 = arith.constant 20 : i32
        %scan3A_191 = arith.addi %scan3A_189, %scan3A_190 : i32
        %scan3A_192 = arith.constant 1 : i32
        %scan3A_193:4 = scf.for %scan3A_207 = %scan3A_189 to %scan3A_191 step %scan3A_192 iter_args(%scan3A_208 = %broadcast_in_dim3A_3, %scan3A_209 = %broadcast_in_dim3A_3, %scan3A_210 = %broadcast_in_dim3A_3, %scan3A_211 = %broadcast_in_dim3A_3) -> (vector<16xf32>, vector<16xf32>, vector<16xf32>, vector<16xf32>)  : i32 {
          %mul3A_212 = arith.constant 20 : i32
          %mul3A_213 = arith.muli %scan3A_146, %mul3A_212 : i32
          %add3A_214 = arith.addi %mul3A_213, %scan3A_207 : i32
          %get3A_215 = arith.index_cast %add3A_214 : i32 to index
          %get3A_216 = arith.constant 0 : index
          %get3A_217 = tpu.vector_load %arg14[%get3A_215, %get3A_216] {strides = array<i32>} : memref<640x128xf32, #tpu.memory_space<vmem>>, vector<1x16xf32>,
          %get3A_218 = vector.shape_cast %get3A_217 : vector<1x16xf32> to vector<16xf32>
          %add3A_219 = arith.addf %scan3A_208, %get3A_218 : vector<16xf32>
          %get3A_220 = arith.index_cast %add3A_214 : i32 to index
          %get3A_221 = arith.constant 16 : index
          %get3A_222 = tpu.vector_load %arg14[%get3A_220, %get3A_221] {strides = array<i32>} : memref<640x128xf32, #tpu.memory_space<vmem>>, vector<1x16xf32>,
          %get3A_223 = vector.shape_cast %get3A_222 : vector<1x16xf32> to vector<16xf32>
          %add3A_224 = arith.addf %scan3A_209, %get3A_223 : vector<16xf32>
          %get3A_225 = arith.index_cast %add3A_214 : i32 to index
          %get3A_226 = arith.constant 32 : index
          %get3A_227 = tpu.vector_load %arg14[%get3A_225, %get3A_226] {strides = array<i32>} : memref<640x128xf32, #tpu.memory_space<vmem>>, vector<1x16xf32>,
          %get3A_228 = vector.shape_cast %get3A_227 : vector<1x16xf32> to vector<16xf32>
          %add3A_229 = arith.addf %scan3A_210, %get3A_228 : vector<16xf32>
          %get3A_230 = arith.index_cast %add3A_214 : i32 to index
          %get3A_231 = arith.constant 48 : index
          %get3A_232 = tpu.vector_load %arg14[%get3A_230, %get3A_231] {strides = array<i32>} : memref<640x128xf32, #tpu.memory_space<vmem>>, vector<1x16xf32>,
          %get3A_233 = vector.shape_cast %get3A_232 : vector<1x16xf32> to vector<16xf32>
          %add3A_234 = arith.addf %scan3A_211, %get3A_233 : vector<16xf32>
          scf.yield %add3A_219, %add3A_224, %add3A_229, %add3A_234 : vector<16xf32>, vector<16xf32>, vector<16xf32>, vector<16xf32>
        }
        %scan3A_194 = arith.constant 20 : i32
        %mul3A_195 = arith.mulf %scan3A_193#0, %get3A_149 : vector<16xf32>
        %mul3A_196 = arith.mulf %scan3A_193#1, %get3A_153 : vector<16xf32>
        %add3A_197 = arith.addf %mul3A_195, %mul3A_196 : vector<16xf32>
        %mul3A_198 = arith.mulf %scan3A_193#2, %get3A_157 : vector<16xf32>
        %add3A_199 = arith.addf %add3A_197, %mul3A_198 : vector<16xf32>
        %mul3A_200 = arith.mulf %scan3A_193#3, %get3A_161 : vector<16xf32>
        %add3A_201 = arith.addf %add3A_199, %mul3A_200 : vector<16xf32>
        %swap3A_202 = arith.index_cast %scan3A_146 : i32 to index
        %swap3A_203 = arith.constant 0 : index
        %swap3A_204 = tpu.vector_load %arg16[%swap3A_202, %swap3A_203] {strides = array<i32>} : memref<32x16xf32, #tpu.memory_space<vmem>>, vector<1x16xf32>,
        %swap3A_205 = vector.shape_cast %swap3A_204 : vector<1x16xf32> to vector<16xf32>
        %swap3A_206 = vector.shape_cast %add3A_201 : vector<16xf32> to vector<1x16xf32>
        tpu.vector_store %arg16[%swap3A_202, %swap3A_203], %swap3A_206 {strides = array<i32>} : memref<32x16xf32, #tpu.memory_space<vmem>>, vector<1x16xf32>,
      }
      %scan3A_145 = arith.constant 32 : i32
      "tpu.region"() ({
        %run_scoped3A = tpu.sem_alloc : memref<!tpu.dma_semaphore, #tpu.memory_space<semaphore_mem>>
        %dma_start3A_146 = arith.constant 0 : i32
        %dma_start3A_147 = tpu.memref_slice %arg7[%add3A_14, %dma_start3A_146] : memref<16384x16xf32, #tpu.memory_space<hbm>> -> memref<32x16xf32, #tpu.memory_space<hbm>>
        %dma_start3A_148 = arith.constant 0 : i32
        %dma_start3A_149 = tpu.memref_slice %arg7[%add3A_14, %dma_start3A_148] : memref<16384x16xf32, #tpu.memory_space<hbm>> -> memref<32x16xf32, #tpu.memory_space<hbm>>
        tpu.enqueue_dma source(%arg15 : memref<32x16xf32, #tpu.memory_space<vmem>>) target(%dma_start3A_149 : memref<32x16xf32, #tpu.memory_space<hbm>>) target_semaphore(%run_scoped3A : memref<!tpu.dma_semaphore, #tpu.memory_space<semaphore_mem>>)
        %dma_wait3A_150 = arith.constant 0 : i32
        %dma_wait3A_151 = tpu.memref_slice %arg7[%add3A_14, %dma_wait3A_150] : memref<16384x16xf32, #tpu.memory_space<hbm>> -> memref<32x16xf32, #tpu.memory_space<hbm>>
        %dma_wait3A_152 = arith.constant 0 : i32
        %dma_wait3A_153 = tpu.memref_slice %arg7[%add3A_14, %dma_wait3A_152] : memref<16384x16xf32, #tpu.memory_space<hbm>> -> memref<32x16xf32, #tpu.memory_space<hbm>>
        tpu.wait_dma2 semaphore(%run_scoped3A : memref<!tpu.dma_semaphore, #tpu.memory_space<semaphore_mem>>) src(%arg15 : memref<32x16xf32, #tpu.memory_space<vmem>>) dst(%dma_wait3A_153 : memref<32x16xf32, #tpu.memory_space<hbm>>)
        tpu.yield
      }) : () -> ()
      "tpu.region"() ({
        %run_scoped3A = tpu.sem_alloc : memref<!tpu.dma_semaphore, #tpu.memory_space<semaphore_mem>>
        %dma_start3A_146 = arith.constant 0 : i32
        %dma_start3A_147 = tpu.memref_slice %arg8[%add3A_14, %dma_start3A_146] : memref<16384x16xf32, #tpu.memory_space<hbm>> -> memref<32x16xf32, #tpu.memory_space<hbm>>
        %dma_start3A_148 = arith.constant 0 : i32
        %dma_start3A_149 = tpu.memref_slice %arg8[%add3A_14, %dma_start3A_148] : memref<16384x16xf32, #tpu.memory_space<hbm>> -> memref<32x16xf32, #tpu.memory_space<hbm>>
        tpu.enqueue_dma source(%arg16 : memref<32x16xf32, #tpu.memory_space<vmem>>) target(%dma_start3A_149 : memref<32x16xf32, #tpu.memory_space<hbm>>) target_semaphore(%run_scoped3A : memref<!tpu.dma_semaphore, #tpu.memory_space<semaphore_mem>>)
        %dma_wait3A_150 = arith.constant 0 : i32
        %dma_wait3A_151 = tpu.memref_slice %arg8[%add3A_14, %dma_wait3A_150] : memref<16384x16xf32, #tpu.memory_space<hbm>> -> memref<32x16xf32, #tpu.memory_space<hbm>>
        %dma_wait3A_152 = arith.constant 0 : i32
        %dma_wait3A_153 = tpu.memref_slice %arg8[%add3A_14, %dma_wait3A_152] : memref<16384x16xf32, #tpu.memory_space<hbm>> -> memref<32x16xf32, #tpu.memory_space<hbm>>
        tpu.wait_dma2 semaphore(%run_scoped3A : memref<!tpu.dma_semaphore, #tpu.memory_space<semaphore_mem>>) src(%arg16 : memref<32x16xf32, #tpu.memory_space<vmem>>) dst(%dma_wait3A_153 : memref<32x16xf32, #tpu.memory_space<hbm>>)
        tpu.yield
      }) : () -> ()
    }
    %scan3A_10 = arith.constant 16 : i32
    return
  }
}

#map = affine_map<(d0, d1) -> (0, 0)>
#map1 = affine_map<(d0, d1) -> (0)>
module attributes {stable_mosaic.version = 14 : i64} {
  func.func @k(%arg0: i32, %arg1: i32, %arg2: memref<1000000x128xf32, #tpu.memory_space<hbm>>, %arg3: memref<1000000x128xf32, #tpu.memory_space<hbm>>, %arg4: memref<16384xi32, #tpu.memory_space<hbm>>, %arg5: memref<32x16xf32, #tpu.memory_space<hbm>>, %arg6: memref<512xi32, #tpu.memory_space<vmem>>, %arg7: memref<64x128xf32, #tpu.memory_space<vmem>>, %arg8: memref<64x128xf32, #tpu.memory_space<vmem>>, %arg9: memref<64x128xf32, #tpu.memory_space<vmem>>, %arg10: memref<64x128xf32, #tpu.memory_space<vmem>>, %arg11: memref<16xf32, #tpu.memory_space<vmem>>, %arg12: memref<!tpu.dma_semaphore, #tpu.memory_space<semaphore_mem>>, %arg13: memref<!tpu.dma_semaphore, #tpu.memory_space<semaphore_mem>>) attributes {dimension_semantics = [#tpu.dimension_semantics<core_parallel>, #tpu.dimension_semantics<subcore_parallel>], iteration_bounds = array<i64: 2, 16>, scalar_prefetch = 0 : i64, scratch_operands = 8 : i64, tpu.core_type = #tpu.core_type<sc_vector_subcore>, window_params = [{transform_indices = #map}, {transform_indices = #map}, {transform_indices = #map1}, {transform_indices = #map}]} {
    %mul3A = arith.constant 2 : i32
    %mul3A_0 = arith.muli %arg1, %mul3A : i32
    %add3A = arith.addi %mul3A_0, %arg0 : i32
    %mul3A_1 = arith.constant 512 : i32
    %mul3A_2 = arith.muli %add3A, %mul3A_1 : i32
    %broadcast_in_dim3A = arith.constant 0.000000e+00 : f32
    %broadcast_in_dim3A_3 = vector.broadcast %broadcast_in_dim3A : f32 to vector<16xf32>
    "tpu.region"() ({
      %run_scoped3A = tpu.sem_alloc : memref<!tpu.dma_semaphore, #tpu.memory_space<semaphore_mem>>
      %dma_start3A_30 = tpu.memref_slice %arg4[%mul3A_2] : memref<16384xi32, #tpu.memory_space<hbm>> -> memref<512xi32, #tpu.memory_space<hbm>>
      %dma_start3A_31 = tpu.memref_slice %arg4[%mul3A_2] : memref<16384xi32, #tpu.memory_space<hbm>> -> memref<512xi32, #tpu.memory_space<hbm>>
      tpu.enqueue_dma source(%dma_start3A_31 : memref<512xi32, #tpu.memory_space<hbm>>) target(%arg6 : memref<512xi32, #tpu.memory_space<vmem>>) target_semaphore(%run_scoped3A : memref<!tpu.dma_semaphore, #tpu.memory_space<semaphore_mem>>)
      %dma_wait3A_32 = tpu.memref_slice %arg4[%mul3A_2] : memref<16384xi32, #tpu.memory_space<hbm>> -> memref<512xi32, #tpu.memory_space<hbm>>
      %dma_wait3A_33 = tpu.memref_slice %arg4[%mul3A_2] : memref<16384xi32, #tpu.memory_space<hbm>> -> memref<512xi32, #tpu.memory_space<hbm>>
      tpu.wait_dma2 semaphore(%run_scoped3A : memref<!tpu.dma_semaphore, #tpu.memory_space<semaphore_mem>>) src(%dma_wait3A_33 : memref<512xi32, #tpu.memory_space<hbm>>) dst(%arg6 : memref<512xi32, #tpu.memory_space<vmem>>)
      tpu.yield
    }) : () -> ()
    %dma_start3A = arith.constant 0 : i32
    %dma_start3A_4 = tpu.memref_slice %arg6[%dma_start3A] : memref<512xi32, #tpu.memory_space<vmem>> -> memref<64xi32, #tpu.memory_space<vmem>>
    %dma_start3A_5 = arith.constant 0 : i32
    %dma_start3A_6 = arith.constant 0 : i32
    %dma_start3A_7 = tpu.memref_slice %arg2[%dma_start3A_5, %dma_start3A_6] : memref<1000000x128xf32, #tpu.memory_space<hbm>> -> memref<1000000x128xf32, #tpu.memory_space<hbm>>
    tpu.enqueue_indirect_dma source(%dma_start3A_7 : memref<1000000x128xf32, #tpu.memory_space<hbm>>) target(%arg7 : memref<64x128xf32, #tpu.memory_space<vmem>>) offsets(%dma_start3A_4 : memref<64xi32, #tpu.memory_space<vmem>>) semaphore(%arg12 : memref<!tpu.dma_semaphore, #tpu.memory_space<semaphore_mem>>)
    %dma_start3A_8 = arith.constant 0 : i32
    %dma_start3A_9 = tpu.memref_slice %arg6[%dma_start3A_8] : memref<512xi32, #tpu.memory_space<vmem>> -> memref<64xi32, #tpu.memory_space<vmem>>
    %dma_start3A_10 = arith.constant 0 : i32
    %dma_start3A_11 = arith.constant 0 : i32
    %dma_start3A_12 = tpu.memref_slice %arg3[%dma_start3A_10, %dma_start3A_11] : memref<1000000x128xf32, #tpu.memory_space<hbm>> -> memref<1000000x128xf32, #tpu.memory_space<hbm>>
    tpu.enqueue_indirect_dma source(%dma_start3A_12 : memref<1000000x128xf32, #tpu.memory_space<hbm>>) target(%arg8 : memref<64x128xf32, #tpu.memory_space<vmem>>) offsets(%dma_start3A_9 : memref<64xi32, #tpu.memory_space<vmem>>) semaphore(%arg12 : memref<!tpu.dma_semaphore, #tpu.memory_space<semaphore_mem>>)
    %scan3A = arith.constant 0 : i32
    %scan3A_13 = arith.constant 4 : i32
    %scan3A_14 = arith.addi %scan3A, %scan3A_13 : i32
    %scan3A_15 = arith.constant 1 : i32
    %scan3A_16 = scf.for %scan3A_30 = %scan3A to %scan3A_14 step %scan3A_15 iter_args(%scan3A_31 = %broadcast_in_dim3A_3) -> (vector<16xf32>)  : i32 {
      %mul3A_32 = arith.constant 2 : i32
      %mul3A_33 = arith.muli %scan3A_30, %mul3A_32 : i32
      %add3A_34 = arith.constant 1 : i32
      %add3A_35 = arith.addi %mul3A_33, %add3A_34 : i32
      %mul3A_36 = arith.constant 64 : i32
      %mul3A_37 = arith.muli %add3A_35, %mul3A_36 : i32
      %dma_start3A_38 = tpu.memref_slice %arg6[%mul3A_37] : memref<512xi32, #tpu.memory_space<vmem>> -> memref<64xi32, #tpu.memory_space<vmem>>
      %dma_start3A_39 = arith.constant 0 : i32
      %dma_start3A_40 = arith.constant 0 : i32
      %dma_start3A_41 = tpu.memref_slice %arg2[%dma_start3A_39, %dma_start3A_40] : memref<1000000x128xf32, #tpu.memory_space<hbm>> -> memref<1000000x128xf32, #tpu.memory_space<hbm>>
      tpu.enqueue_indirect_dma source(%dma_start3A_41 : memref<1000000x128xf32, #tpu.memory_space<hbm>>) target(%arg9 : memref<64x128xf32, #tpu.memory_space<vmem>>) offsets(%dma_start3A_38 : memref<64xi32, #tpu.memory_space<vmem>>) semaphore(%arg13 : memref<!tpu.dma_semaphore, #tpu.memory_space<semaphore_mem>>)
      %dma_start3A_42 = tpu.memref_slice %arg6[%mul3A_37] : memref<512xi32, #tpu.memory_space<vmem>> -> memref<64xi32, #tpu.memory_space<vmem>>
      %dma_start3A_43 = arith.constant 0 : i32
      %dma_start3A_44 = arith.constant 0 : i32
      %dma_start3A_45 = tpu.memref_slice %arg3[%dma_start3A_43, %dma_start3A_44] : memref<1000000x128xf32, #tpu.memory_space<hbm>> -> memref<1000000x128xf32, #tpu.memory_space<hbm>>
      tpu.enqueue_indirect_dma source(%dma_start3A_45 : memref<1000000x128xf32, #tpu.memory_space<hbm>>) target(%arg10 : memref<64x128xf32, #tpu.memory_space<vmem>>) offsets(%dma_start3A_42 : memref<64xi32, #tpu.memory_space<vmem>>) semaphore(%arg13 : memref<!tpu.dma_semaphore, #tpu.memory_space<semaphore_mem>>)
      %mul3A_46 = arith.constant 64 : i32
      %mul3A_47 = arith.muli %mul3A_33, %mul3A_46 : i32
      %dma_wait3A_48 = tpu.memref_slice %arg6[%mul3A_47] : memref<512xi32, #tpu.memory_space<vmem>> -> memref<64xi32, #tpu.memory_space<vmem>>
      %dma_wait3A_49 = arith.constant 0 : i32
      %dma_wait3A_50 = arith.constant 0 : i32
      %dma_wait3A_51 = tpu.memref_slice %arg2[%dma_wait3A_49, %dma_wait3A_50] : memref<1000000x128xf32, #tpu.memory_space<hbm>> -> memref<1000000x128xf32, #tpu.memory_space<hbm>>
      tpu.wait_indirect_dma semaphore(%arg12 : memref<!tpu.dma_semaphore, #tpu.memory_space<semaphore_mem>>) src(%dma_wait3A_51 : memref<1000000x128xf32, #tpu.memory_space<hbm>>) dst(%arg7 : memref<64x128xf32, #tpu.memory_space<vmem>>)
      %dma_wait3A_52 = tpu.memref_slice %arg6[%mul3A_47] : memref<512xi32, #tpu.memory_space<vmem>> -> memref<64xi32, #tpu.memory_space<vmem>>
      %dma_wait3A_53 = arith.constant 0 : i32
      %dma_wait3A_54 = arith.constant 0 : i32
      %dma_wait3A_55 = tpu.memref_slice %arg3[%dma_wait3A_53, %dma_wait3A_54] : memref<1000000x128xf32, #tpu.memory_space<hbm>> -> memref<1000000x128xf32, #tpu.memory_space<hbm>>
      tpu.wait_indirect_dma semaphore(%arg12 : memref<!tpu.dma_semaphore, #tpu.memory_space<semaphore_mem>>) src(%dma_wait3A_55 : memref<1000000x128xf32, #tpu.memory_space<hbm>>) dst(%arg8 : memref<64x128xf32, #tpu.memory_space<vmem>>)
      %scan3A_56 = arith.constant 0 : i32
      %scan3A_57 = arith.constant 64 : i32
      %scan3A_58 = arith.addi %scan3A_56, %scan3A_57 : i32
      %scan3A_59 = arith.constant 1 : i32
      %scan3A_60 = scf.for %scan3A_93 = %scan3A_56 to %scan3A_58 step %scan3A_59 iter_args(%scan3A_94 = %scan3A_31) -> (vector<16xf32>)  : i32 {
        %get3A = arith.index_cast %scan3A_93 : i32 to index
        %get3A_95 = arith.constant 0 : index
        %get3A_96 = tpu.vector_load %arg7[%get3A, %get3A_95] {strides = array<i32>} : memref<64x128xf32, #tpu.memory_space<vmem>>, vector<1x16xf32>,
        %get3A_97 = vector.shape_cast %get3A_96 : vector<1x16xf32> to vector<16xf32>
        %get3A_98 = arith.index_cast %scan3A_93 : i32 to index
        %get3A_99 = arith.constant 16 : index
        %get3A_100 = tpu.vector_load %arg7[%get3A_98, %get3A_99] {strides = array<i32>} : memref<64x128xf32, #tpu.memory_space<vmem>>, vector<1x16xf32>,
        %get3A_101 = vector.shape_cast %get3A_100 : vector<1x16xf32> to vector<16xf32>
        %get3A_102 = arith.index_cast %scan3A_93 : i32 to index
        %get3A_103 = arith.constant 32 : index
        %get3A_104 = tpu.vector_load %arg7[%get3A_102, %get3A_103] {strides = array<i32>} : memref<64x128xf32, #tpu.memory_space<vmem>>, vector<1x16xf32>,
        %get3A_105 = vector.shape_cast %get3A_104 : vector<1x16xf32> to vector<16xf32>
        %get3A_106 = arith.index_cast %scan3A_93 : i32 to index
        %get3A_107 = arith.constant 48 : index
        %get3A_108 = tpu.vector_load %arg7[%get3A_106, %get3A_107] {strides = array<i32>} : memref<64x128xf32, #tpu.memory_space<vmem>>, vector<1x16xf32>,
        %get3A_109 = vector.shape_cast %get3A_108 : vector<1x16xf32> to vector<16xf32>
        %get3A_110 = arith.index_cast %scan3A_93 : i32 to index
        %get3A_111 = arith.constant 0 : index
        %get3A_112 = tpu.vector_load %arg8[%get3A_110, %get3A_111] {strides = array<i32>} : memref<64x128xf32, #tpu.memory_space<vmem>>, vector<1x16xf32>,
        %get3A_113 = vector.shape_cast %get3A_112 : vector<1x16xf32> to vector<16xf32>
        %get3A_114 = arith.index_cast %scan3A_93 : i32 to index
        %get3A_115 = arith.constant 16 : index
        %get3A_116 = tpu.vector_load %arg8[%get3A_114, %get3A_115] {strides = array<i32>} : memref<64x128xf32, #tpu.memory_space<vmem>>, vector<1x16xf32>,
        %get3A_117 = vector.shape_cast %get3A_116 : vector<1x16xf32> to vector<16xf32>
        %get3A_118 = arith.index_cast %scan3A_93 : i32 to index
        %get3A_119 = arith.constant 32 : index
        %get3A_120 = tpu.vector_load %arg8[%get3A_118, %get3A_119] {strides = array<i32>} : memref<64x128xf32, #tpu.memory_space<vmem>>, vector<1x16xf32>,
        %get3A_121 = vector.shape_cast %get3A_120 : vector<1x16xf32> to vector<16xf32>
        %get3A_122 = arith.index_cast %scan3A_93 : i32 to index
        %get3A_123 = arith.constant 48 : index
        %get3A_124 = tpu.vector_load %arg8[%get3A_122, %get3A_123] {strides = array<i32>} : memref<64x128xf32, #tpu.memory_space<vmem>>, vector<1x16xf32>,
        %get3A_125 = vector.shape_cast %get3A_124 : vector<1x16xf32> to vector<16xf32>
        %sub3A = arith.subf %get3A_97, %get3A_113 : vector<16xf32>
        %abs3A = math.absf %sub3A : vector<16xf32>
        %add3A_126 = arith.addf %scan3A_94, %abs3A : vector<16xf32>
        %sub3A_127 = arith.subf %get3A_101, %get3A_117 : vector<16xf32>
        %abs3A_128 = math.absf %sub3A_127 : vector<16xf32>
        %add3A_129 = arith.addf %add3A_126, %abs3A_128 : vector<16xf32>
        %sub3A_130 = arith.subf %get3A_105, %get3A_121 : vector<16xf32>
        %abs3A_131 = math.absf %sub3A_130 : vector<16xf32>
        %add3A_132 = arith.addf %add3A_129, %abs3A_131 : vector<16xf32>
        %sub3A_133 = arith.subf %get3A_109, %get3A_125 : vector<16xf32>
        %abs3A_134 = math.absf %sub3A_133 : vector<16xf32>
        %add3A_135 = arith.addf %add3A_132, %abs3A_134 : vector<16xf32>
        scf.yield %add3A_135 : vector<16xf32>
      }
      %scan3A_61 = arith.constant 64 : i32
      %add3A_62 = arith.constant 2 : i32
      %add3A_63 = arith.addi %mul3A_33, %add3A_62 : i32
      %min3A = arith.constant 7 : i32
      %min3A_64 = arith.minsi %add3A_63, %min3A : i32
      %mul3A_65 = arith.constant 64 : i32
      %mul3A_66 = arith.muli %min3A_64, %mul3A_65 : i32
      %dma_start3A_67 = tpu.memref_slice %arg6[%mul3A_66] : memref<512xi32, #tpu.memory_space<vmem>> -> memref<64xi32, #tpu.memory_space<vmem>>
      %dma_start3A_68 = arith.constant 0 : i32
      %dma_start3A_69 = arith.constant 0 : i32
      %dma_start3A_70 = tpu.memref_slice %arg2[%dma_start3A_68, %dma_start3A_69] : memref<1000000x128xf32, #tpu.memory_space<hbm>> -> memref<1000000x128xf32, #tpu.memory_space<hbm>>
      tpu.enqueue_indirect_dma source(%dma_start3A_70 : memref<1000000x128xf32, #tpu.memory_space<hbm>>) target(%arg7 : memref<64x128xf32, #tpu.memory_space<vmem>>) offsets(%dma_start3A_67 : memref<64xi32, #tpu.memory_space<vmem>>) semaphore(%arg12 : memref<!tpu.dma_semaphore, #tpu.memory_space<semaphore_mem>>)
      %dma_start3A_71 = tpu.memref_slice %arg6[%mul3A_66] : memref<512xi32, #tpu.memory_space<vmem>> -> memref<64xi32, #tpu.memory_space<vmem>>
      %dma_start3A_72 = arith.constant 0 : i32
      %dma_start3A_73 = arith.constant 0 : i32
      %dma_start3A_74 = tpu.memref_slice %arg3[%dma_start3A_72, %dma_start3A_73] : memref<1000000x128xf32, #tpu.memory_space<hbm>> -> memref<1000000x128xf32, #tpu.memory_space<hbm>>
      tpu.enqueue_indirect_dma source(%dma_start3A_74 : memref<1000000x128xf32, #tpu.memory_space<hbm>>) target(%arg8 : memref<64x128xf32, #tpu.memory_space<vmem>>) offsets(%dma_start3A_71 : memref<64xi32, #tpu.memory_space<vmem>>) semaphore(%arg12 : memref<!tpu.dma_semaphore, #tpu.memory_space<semaphore_mem>>)
      %add3A_75 = arith.constant 1 : i32
      %add3A_76 = arith.addi %mul3A_33, %add3A_75 : i32
      %mul3A_77 = arith.constant 64 : i32
      %mul3A_78 = arith.muli %add3A_76, %mul3A_77 : i32
      %dma_wait3A_79 = tpu.memref_slice %arg6[%mul3A_78] : memref<512xi32, #tpu.memory_space<vmem>> -> memref<64xi32, #tpu.memory_space<vmem>>
      %dma_wait3A_80 = arith.constant 0 : i32
      %dma_wait3A_81 = arith.constant 0 : i32
      %dma_wait3A_82 = tpu.memref_slice %arg2[%dma_wait3A_80, %dma_wait3A_81] : memref<1000000x128xf32, #tpu.memory_space<hbm>> -> memref<1000000x128xf32, #tpu.memory_space<hbm>>
      tpu.wait_indirect_dma semaphore(%arg13 : memref<!tpu.dma_semaphore, #tpu.memory_space<semaphore_mem>>) src(%dma_wait3A_82 : memref<1000000x128xf32, #tpu.memory_space<hbm>>) dst(%arg9 : memref<64x128xf32, #tpu.memory_space<vmem>>)
      %dma_wait3A_83 = tpu.memref_slice %arg6[%mul3A_78] : memref<512xi32, #tpu.memory_space<vmem>> -> memref<64xi32, #tpu.memory_space<vmem>>
      %dma_wait3A_84 = arith.constant 0 : i32
      %dma_wait3A_85 = arith.constant 0 : i32
      %dma_wait3A_86 = tpu.memref_slice %arg3[%dma_wait3A_84, %dma_wait3A_85] : memref<1000000x128xf32, #tpu.memory_space<hbm>> -> memref<1000000x128xf32, #tpu.memory_space<hbm>>
      tpu.wait_indirect_dma semaphore(%arg13 : memref<!tpu.dma_semaphore, #tpu.memory_space<semaphore_mem>>) src(%dma_wait3A_86 : memref<1000000x128xf32, #tpu.memory_space<hbm>>) dst(%arg10 : memref<64x128xf32, #tpu.memory_space<vmem>>)
      %scan3A_87 = arith.constant 0 : i32
      %scan3A_88 = arith.constant 64 : i32
      %scan3A_89 = arith.addi %scan3A_87, %scan3A_88 : i32
      %scan3A_90 = arith.constant 1 : i32
      %scan3A_91 = scf.for %scan3A_93 = %scan3A_87 to %scan3A_89 step %scan3A_90 iter_args(%scan3A_94 = %scan3A_60) -> (vector<16xf32>)  : i32 {
        %get3A = arith.index_cast %scan3A_93 : i32 to index
        %get3A_95 = arith.constant 0 : index
        %get3A_96 = tpu.vector_load %arg9[%get3A, %get3A_95] {strides = array<i32>} : memref<64x128xf32, #tpu.memory_space<vmem>>, vector<1x16xf32>,
        %get3A_97 = vector.shape_cast %get3A_96 : vector<1x16xf32> to vector<16xf32>
        %get3A_98 = arith.index_cast %scan3A_93 : i32 to index
        %get3A_99 = arith.constant 16 : index
        %get3A_100 = tpu.vector_load %arg9[%get3A_98, %get3A_99] {strides = array<i32>} : memref<64x128xf32, #tpu.memory_space<vmem>>, vector<1x16xf32>,
        %get3A_101 = vector.shape_cast %get3A_100 : vector<1x16xf32> to vector<16xf32>
        %get3A_102 = arith.index_cast %scan3A_93 : i32 to index
        %get3A_103 = arith.constant 32 : index
        %get3A_104 = tpu.vector_load %arg9[%get3A_102, %get3A_103] {strides = array<i32>} : memref<64x128xf32, #tpu.memory_space<vmem>>, vector<1x16xf32>,
        %get3A_105 = vector.shape_cast %get3A_104 : vector<1x16xf32> to vector<16xf32>
        %get3A_106 = arith.index_cast %scan3A_93 : i32 to index
        %get3A_107 = arith.constant 48 : index
        %get3A_108 = tpu.vector_load %arg9[%get3A_106, %get3A_107] {strides = array<i32>} : memref<64x128xf32, #tpu.memory_space<vmem>>, vector<1x16xf32>,
        %get3A_109 = vector.shape_cast %get3A_108 : vector<1x16xf32> to vector<16xf32>
        %get3A_110 = arith.index_cast %scan3A_93 : i32 to index
        %get3A_111 = arith.constant 0 : index
        %get3A_112 = tpu.vector_load %arg10[%get3A_110, %get3A_111] {strides = array<i32>} : memref<64x128xf32, #tpu.memory_space<vmem>>, vector<1x16xf32>,
        %get3A_113 = vector.shape_cast %get3A_112 : vector<1x16xf32> to vector<16xf32>
        %get3A_114 = arith.index_cast %scan3A_93 : i32 to index
        %get3A_115 = arith.constant 16 : index
        %get3A_116 = tpu.vector_load %arg10[%get3A_114, %get3A_115] {strides = array<i32>} : memref<64x128xf32, #tpu.memory_space<vmem>>, vector<1x16xf32>,
        %get3A_117 = vector.shape_cast %get3A_116 : vector<1x16xf32> to vector<16xf32>
        %get3A_118 = arith.index_cast %scan3A_93 : i32 to index
        %get3A_119 = arith.constant 32 : index
        %get3A_120 = tpu.vector_load %arg10[%get3A_118, %get3A_119] {strides = array<i32>} : memref<64x128xf32, #tpu.memory_space<vmem>>, vector<1x16xf32>,
        %get3A_121 = vector.shape_cast %get3A_120 : vector<1x16xf32> to vector<16xf32>
        %get3A_122 = arith.index_cast %scan3A_93 : i32 to index
        %get3A_123 = arith.constant 48 : index
        %get3A_124 = tpu.vector_load %arg10[%get3A_122, %get3A_123] {strides = array<i32>} : memref<64x128xf32, #tpu.memory_space<vmem>>, vector<1x16xf32>,
        %get3A_125 = vector.shape_cast %get3A_124 : vector<1x16xf32> to vector<16xf32>
        %sub3A = arith.subf %get3A_97, %get3A_113 : vector<16xf32>
        %abs3A = math.absf %sub3A : vector<16xf32>
        %add3A_126 = arith.addf %scan3A_94, %abs3A : vector<16xf32>
        %sub3A_127 = arith.subf %get3A_101, %get3A_117 : vector<16xf32>
        %abs3A_128 = math.absf %sub3A_127 : vector<16xf32>
        %add3A_129 = arith.addf %add3A_126, %abs3A_128 : vector<16xf32>
        %sub3A_130 = arith.subf %get3A_105, %get3A_121 : vector<16xf32>
        %abs3A_131 = math.absf %sub3A_130 : vector<16xf32>
        %add3A_132 = arith.addf %add3A_129, %abs3A_131 : vector<16xf32>
        %sub3A_133 = arith.subf %get3A_109, %get3A_125 : vector<16xf32>
        %abs3A_134 = math.absf %sub3A_133 : vector<16xf32>
        %add3A_135 = arith.addf %add3A_132, %abs3A_134 : vector<16xf32>
        scf.yield %add3A_135 : vector<16xf32>
      }
      %scan3A_92 = arith.constant 64 : i32
      scf.yield %scan3A_91 : vector<16xf32>
    }
    %scan3A_17 = arith.constant 4 : i32
    %dma_wait3A = arith.constant 0 : i32
    %dma_wait3A_18 = tpu.memref_slice %arg6[%dma_wait3A] : memref<512xi32, #tpu.memory_space<vmem>> -> memref<64xi32, #tpu.memory_space<vmem>>
    %dma_wait3A_19 = arith.constant 0 : i32
    %dma_wait3A_20 = arith.constant 0 : i32
    %dma_wait3A_21 = tpu.memref_slice %arg2[%dma_wait3A_19, %dma_wait3A_20] : memref<1000000x128xf32, #tpu.memory_space<hbm>> -> memref<1000000x128xf32, #tpu.memory_space<hbm>>
    tpu.wait_indirect_dma semaphore(%arg12 : memref<!tpu.dma_semaphore, #tpu.memory_space<semaphore_mem>>) src(%dma_wait3A_21 : memref<1000000x128xf32, #tpu.memory_space<hbm>>) dst(%arg7 : memref<64x128xf32, #tpu.memory_space<vmem>>)
    %dma_wait3A_22 = arith.constant 0 : i32
    %dma_wait3A_23 = tpu.memref_slice %arg6[%dma_wait3A_22] : memref<512xi32, #tpu.memory_space<vmem>> -> memref<64xi32, #tpu.memory_space<vmem>>
    %dma_wait3A_24 = arith.constant 0 : i32
    %dma_wait3A_25 = arith.constant 0 : i32
    %dma_wait3A_26 = tpu.memref_slice %arg3[%dma_wait3A_24, %dma_wait3A_25] : memref<1000000x128xf32, #tpu.memory_space<hbm>> -> memref<1000000x128xf32, #tpu.memory_space<hbm>>
    tpu.wait_indirect_dma semaphore(%arg12 : memref<!tpu.dma_semaphore, #tpu.memory_space<semaphore_mem>>) src(%dma_wait3A_26 : memref<1000000x128xf32, #tpu.memory_space<hbm>>) dst(%arg8 : memref<64x128xf32, #tpu.memory_space<vmem>>)
    %swap3A = arith.constant 0 : index
    %swap3A_27 = tpu.vector_load %arg11[%swap3A] {strides = array<i32>} : memref<16xf32, #tpu.memory_space<vmem>>, vector<16xf32>,
    %swap3A_28 = vector.shape_cast %swap3A_27 : vector<16xf32> to vector<16xf32>
    %swap3A_29 = vector.shape_cast %scan3A_16 : vector<16xf32> to vector<16xf32>
    tpu.vector_store %arg11[%swap3A], %swap3A_29 {strides = array<i32>} : memref<16xf32, #tpu.memory_space<vmem>>, vector<16xf32>,
    "tpu.region"() ({
      %run_scoped3A = tpu.sem_alloc : memref<!tpu.dma_semaphore, #tpu.memory_space<semaphore_mem>>
      %dma_start3A_30 = arith.constant 0 : i32
      %dma_start3A_31 = tpu.memref_slice %arg5[%add3A, %dma_start3A_30] : memref<32x16xf32, #tpu.memory_space<hbm>> -> memref<1x16xf32, #tpu.memory_space<hbm>>
      %dma_start3A_32 = tpu.memref_squeeze %dma_start3A_31 : memref<1x16xf32, #tpu.memory_space<hbm>> -> memref<16xf32, #tpu.memory_space<hbm>>
      %dma_start3A_33 = arith.constant 0 : i32
      %dma_start3A_34 = tpu.memref_slice %arg5[%add3A, %dma_start3A_33] : memref<32x16xf32, #tpu.memory_space<hbm>> -> memref<1x16xf32, #tpu.memory_space<hbm>>
      %dma_start3A_35 = tpu.memref_squeeze %dma_start3A_34 : memref<1x16xf32, #tpu.memory_space<hbm>> -> memref<16xf32, #tpu.memory_space<hbm>>
      tpu.enqueue_dma source(%arg11 : memref<16xf32, #tpu.memory_space<vmem>>) target(%dma_start3A_35 : memref<16xf32, #tpu.memory_space<hbm>>) target_semaphore(%run_scoped3A : memref<!tpu.dma_semaphore, #tpu.memory_space<semaphore_mem>>)
      %dma_wait3A_36 = arith.constant 0 : i32
      %dma_wait3A_37 = tpu.memref_slice %arg5[%add3A, %dma_wait3A_36] : memref<32x16xf32, #tpu.memory_space<hbm>> -> memref<1x16xf32, #tpu.memory_space<hbm>>
      %dma_wait3A_38 = tpu.memref_squeeze %dma_wait3A_37 : memref<1x16xf32, #tpu.memory_space<hbm>> -> memref<16xf32, #tpu.memory_space<hbm>>
      %dma_wait3A_39 = arith.constant 0 : i32
      %dma_wait3A_40 = tpu.memref_slice %arg5[%add3A, %dma_wait3A_39] : memref<32x16xf32, #tpu.memory_space<hbm>> -> memref<1x16xf32, #tpu.memory_space<hbm>>
      %dma_wait3A_41 = tpu.memref_squeeze %dma_wait3A_40 : memref<1x16xf32, #tpu.memory_space<hbm>> -> memref<16xf32, #tpu.memory_space<hbm>>
      tpu.wait_dma2 semaphore(%run_scoped3A : memref<!tpu.dma_semaphore, #tpu.memory_space<semaphore_mem>>) src(%arg11 : memref<16xf32, #tpu.memory_space<vmem>>) dst(%dma_wait3A_41 : memref<16xf32, #tpu.memory_space<hbm>>)
      tpu.yield
    }) : () -> ()
    return
  }
}

module attributes {stable_mosaic.version = 14 : i64} {
  func.func @body(%arg0: memref<16384x16xf32, #tpu.memory_space<vmem>>, %arg1: memref<16384x16xf32, #tpu.memory_space<vmem>>, %arg2: memref<32x16xf32, #tpu.memory_space<vmem>>, %arg3: memref<1x1xf32, #tpu.memory_space<vmem>>) attributes {dimension_semantics = [], scalar_prefetch = 0 : i64, scratch_operands = 0 : i64, tpu.core_type = #tpu.core_type<tc>} {
    %get3A = arith.constant 0 : index
    %get3A_0 = arith.constant 0 : index
    %get3A_1 = vector.load %arg0[%get3A, %get3A_0] : memref<16384x16xf32, #tpu.memory_space<vmem>>, vector<16384x16xf32>
    %reduce_sum3A = arith.constant dense<0.000000e+00> : vector<16384xf32>
    %reduce_sum3A_2 = vector.multi_reduction <add>, %get3A_1, %reduce_sum3A [1] : vector<16384x16xf32> to vector<16384xf32>
    %get3A_3 = arith.constant 0 : index
    %get3A_4 = arith.constant 0 : index
    %get3A_5 = vector.load %arg1[%get3A_3, %get3A_4] : memref<16384x16xf32, #tpu.memory_space<vmem>>, vector<16384x16xf32>
    %reduce_sum3A_6 = arith.constant dense<0.000000e+00> : vector<16384xf32>
    %reduce_sum3A_7 = vector.multi_reduction <add>, %get3A_5, %reduce_sum3A_6 [1] : vector<16384x16xf32> to vector<16384xf32>
    %min3A = arith.constant 0.000000e+00 : f32
    %min3A_8 = vector.broadcast %min3A : f32 to vector<16384xf32>
    %min3A_9 = arith.minimumf %reduce_sum3A_2, %min3A_8 : vector<16384xf32>
    %abs3A = math.absf %reduce_sum3A_2 : vector<16384xf32>
    %neg3A = arith.constant 0.000000e+00 : f32
    %neg3A_10 = vector.broadcast %neg3A : f32 to vector<16384xf32>
    %neg3A_11 = arith.subf %neg3A_10, %abs3A : vector<16384xf32>
    %exp3A = math.exp %neg3A_11 : vector<16384xf32>
    %log1p3A = math.log1p %exp3A : vector<16384xf32>
    %sub3A = arith.subf %min3A_9, %log1p3A : vector<16384xf32>
    %neg3A_12 = arith.constant 0.000000e+00 : f32
    %neg3A_13 = vector.broadcast %neg3A_12 : f32 to vector<16384xf32>
    %neg3A_14 = arith.subf %neg3A_13, %reduce_sum3A_7 : vector<16384xf32>
    %min3A_15 = arith.constant 0.000000e+00 : f32
    %min3A_16 = vector.broadcast %min3A_15 : f32 to vector<16384xf32>
    %min3A_17 = arith.minimumf %neg3A_14, %min3A_16 : vector<16384xf32>
    %abs3A_18 = math.absf %reduce_sum3A_7 : vector<16384xf32>
    %neg3A_19 = arith.constant 0.000000e+00 : f32
    %neg3A_20 = vector.broadcast %neg3A_19 : f32 to vector<16384xf32>
    %neg3A_21 = arith.subf %neg3A_20, %abs3A_18 : vector<16384xf32>
    %exp3A_22 = math.exp %neg3A_21 : vector<16384xf32>
    %log1p3A_23 = math.log1p %exp3A_22 : vector<16384xf32>
    %sub3A_24 = arith.subf %min3A_17, %log1p3A_23 : vector<16384xf32>
    %add3A = arith.addf %sub3A, %sub3A_24 : vector<16384xf32>
    %reduce_sum3A_25 = vector.shape_cast %add3A : vector<16384xf32> to vector<1x16384xf32>
    %reduce_sum3A_26 = arith.constant dense<0.000000e+00> : vector<1xf32>
    %reduce_sum3A_27 = vector.multi_reduction <add>, %reduce_sum3A_25, %reduce_sum3A_26 [1] : vector<1x16384xf32> to vector<1xf32>
    %reduce_sum3A_28 = vector.shape_cast %reduce_sum3A_27 : vector<1xf32> to vector<1x1xf32>
    %reduce_sum3A_29 = vector.extract %reduce_sum3A_28[0, 0] : f32 from vector<1x1xf32>
    %get3A_30 = arith.constant 0 : index
    %get3A_31 = arith.constant 0 : index
    %get3A_32 = vector.load %arg2[%get3A_30, %get3A_31] : memref<32x16xf32, #tpu.memory_space<vmem>>, vector<32x16xf32>
    %reduce_sum3A_33 = vector.shape_cast %get3A_32 : vector<32x16xf32> to vector<1x32x16xf32>
    %reduce_sum3A_34 = arith.constant dense<0.000000e+00> : vector<1xf32>
    %reduce_sum3A_35 = vector.multi_reduction <add>, %reduce_sum3A_33, %reduce_sum3A_34 [1, 2] : vector<1x32x16xf32> to vector<1xf32>
    %reduce_sum3A_36 = vector.shape_cast %reduce_sum3A_35 : vector<1xf32> to vector<1x1x1xf32>
    %reduce_sum3A_37 = vector.extract %reduce_sum3A_36[0, 0, 0] : f32 from vector<1x1x1xf32>
    %mul3A = arith.constant 9.99999997E-7 : f32
    %mul3A_38 = arith.mulf %mul3A, %reduce_sum3A_37 : f32
    %div3A = arith.constant 1.638400e+04 : f32
    %div3A_39 = arith.divf %reduce_sum3A_29, %div3A : f32
    %neg3A_40 = arith.constant 0.000000e+00 : f32
    %neg3A_41 = arith.subf %neg3A_40, %div3A_39 : f32
    %sub3A_42 = arith.subf %neg3A_41, %mul3A_38 : f32
    %reshape3A = vector.broadcast %sub3A_42 : f32 to vector<1x1xf32>
    %swap3A = arith.constant 0 : index
    %swap3A_43 = arith.constant 0 : index
    %swap3A_44 = vector.load %arg3[%swap3A, %swap3A_43] : memref<1x1xf32, #tpu.memory_space<vmem>>, vector<1x1xf32>
    tpu.vector_store %arg3[%swap3A, %swap3A_43], %reshape3A {strides = array<i32>} : memref<1x1xf32, #tpu.memory_space<vmem>>, vector<1x1xf32>,
    return
  }
}

</mosaic_0001>

<sc_bundles>
// kernel: kernel.5.cloned.1.call-start
scs
__scs_entry_jumppad:
0x0: {  	(pc) =	sbr.rel $0x88, $3  }
0x1: {  	(tag) =	ssettag $0x0;
	lr =	simm.s32 $0x1  }
0x2: {  	[smem:$0x3F9B] =	sst lr;
	_ =	strace $0xD0000000  }
0x3: {  	_ = 	snop  }
0x4: {  	_ = 	snop  }
0x5: {  	_ = 	snop  }
0x6: {  	_ = 	snop  }
0x7: {  	_ = 	snop  }
__scs_overlays_trampoline_lowered:
0x8: {  	[smem:$0x3FAA] =	sst s0  }
0x9: {  	[smem:$0x3FAB] =	sst s1  }
0xa: {  	[smem:$0x3FAC] =	sst s2  }
0xb: {  	[smem:$0x3FAD] =	sst s3  }
0xc: {  	[smem:$0x3FAE] =	sst s4  }
0xd: {  	[smem:$0x3FAF] =	sst s5  }
0xe: {  	[smem:$0x3FB0] =	sst s6  }
0xf: {  	[smem:$0x3FB1] =	sst s7  }
0x10: {  	[smem:$0x3FB2] =	sst s8  }
0x11: {  	[smem:$0x3FB3] =	sst s9;
	s0 =	simm.s32 @!p0 $0x0  }
0x12: {  	s1 =	sld [smem:$0x3F99];
	s0 =	simm.s32 @p0 $0x1  }
0x13: {  	[smem:$0x3FB4] =	sst s0;
	s0 =	simm.s32 @!p1 $0x0  }
0x14: {  	s2 =	sld [smem:$0x3F98];
	s0 =	simm.s32 @p1 $0x1  }
0x15: {  	[smem:$0x3FB5] =	sst s0;
	s0 =	simm.s32 @!p2 $0x0  }
0x16: {  	s3 =	sld [smem:$0x3FDB];
	s0 =	simm.s32 @p2 $0x1  }
0x17: {  	s4 =	simm.s32 $0x1BF5;
	[smem:$0x3FB7] =	sst s0  }
0x18: {  	s0 =	sld [smem:$0x3F9A];
	_ =	swait.ge [sflag:s4], $0x0  }
0x19: {  	s7 =	sld [smem:$0x3F9B]  }
0x1a: {  	s8 =	sadd.s32 $0xFFFFE003, lr  }
0x1b: {  	s9 =	sadd.s32 $0xFFFFFEF7, lr;
	s5 =	simm.s32 $0xFFFFFFFF;
	p2 =	slt.u32 s8, $0xFFFFF086  }
0x1c: {  	p1 =	slt.u32 s9, $0xF7A;
	s5 =	simm.s32 @!p2 $0x0  }
0x1d: {  	s5 =	simm.s32 @p1 $0x1;
	p0 =	seq.s32 s7, s2  }
0x1e: {  	s7 =	smul.u32 @!p0 $0xF7A, s2;
	p2 =	seq.s32 @!p0 s5, $0x0  }
0x1f: {  	s9 =	smul.u32 $0xF7A, s1;
	s8 =	simm.s32 @!p0 $0x1BF5;
	p2 =	por !p2, p0  }
0x20: {  	[sflag:s8] =	ssyncset.s32 @!p0 $0xFFFFF086;
	s6 =	sadd.s32 @!p0 s3, s7;
	s7 =	simm.s32 @!p0 $0x108  }
0x21: {  	s3 =	sadd.s32 s3, s9;
	s6 =	sadd.s32 @!p0 $0x88, s6;
	s7 =	simm.s32 @p2 $0x1082  }
0x22: {  	[simem:s7], [sflag:s8] =	dma.local @!p0 [hbm:s6], $0xF7A  }
0x23: {  	s9 =	sor.u32 $0xD0000000, s2;
	s6 =	simm.s32 $0x108;
	_ =	swait.ge @!p0 [sflag:s8], $0x0  }
0x24: {  	s3 =	sadd.s32 $0x88, s3;
	s6 =	simm.s32 @!p1 $0x1082;
	[sflag:s4] =	ssyncset.s32 $0xFFFFF086  }
0x25: {  	[simem:s6], [sflag:s4] =	dma.local [hbm:s3], $0xF7A  }
0x26: {  	[smem:$0x3F9B] =	sst s1;
	(tag) =	ssettag s2;
	_ =	strace s9  }
0x27: {  	s1 =	sld [smem:$0x3FAB]  }
0x28: {  	s2 =	sld [smem:$0x3FAC]  }
0x29: {  	s4 =	sld [smem:$0x3FAE]  }
0x2a: {  	p0 =	seq.s32 s5, $0x0;
	s5 =	sld [smem:$0x3FAF]  }
0x2b: {  	s6 =	sld [smem:$0x3FB0]  }
0x2c: {  	s7 =	sld [smem:$0x3FB1]  }
0x2d: {  	s3 =	simm.s32 $0x108;
	s8 =	sld [smem:$0x3FB2]  }
0x2e: {  	s3 =	simm.s32 @!p0 $0x1082;
	s9 =	sld [smem:$0x3FB3]  }
0x2f: {  	lr =	sadd.s32 s0, s3;
	s0 =	sld [smem:$0x3FAA]  }
0x30: {  	s3 =	sld [smem:$0x3FAD]  }
0x31: {  	[smem:$0x3FB6] =	sst s10  }
0x32: {  	s10 =	sld [smem:$0x3FB4];
	_ =	sdelay $0x3  }
0x33: {  	p0 =	seq.s32 s10, $0x1;
	s10 =	sld [smem:$0x3FB6];
	_ =	sdelay $0x3  }
0x34: {  	[smem:$0x3FB6] =	sst s10  }
0x35: {  	s10 =	sld [smem:$0x3FB5];
	_ =	sdelay $0x3  }
0x36: {  	p1 =	seq.s32 s10, $0x1;
	s10 =	sld [smem:$0x3FB6];
	_ =	sdelay $0x3  }
0x37: {  	[smem:$0x3FB6] =	sst s10  }
0x38: {  	s10 =	sld [smem:$0x3FB7]  }
0x39: {  	_ = 	snop;
	(pc) =	sbr.ind lr, $3  }
0x3a: {  	_ = 	snop  }
0x3b: {  	_ = 	snop  }
0x3c: {  	p2 =	seq.s32 s10, $0x1;
	s10 =	sld [smem:$0x3FB6]  }
0x3d: {  	_ =	shalt  }
0x3e: {  	_ =	shalt  }
0x3f: {  	_ =	shalt  }
0x40: {  	_ =	shalt  }
0x41: {  	_ =	shalt  }
0x42: {  	_ =	shalt  }
0x43: {  	_ =	shalt  }
0x44: {  	_ =	shalt  }
0x45: {  	_ =	shalt  }
0x46: {  	_ =	shalt  }
0x47: {  	_ =	shalt  }
0x48: {  	_ =	shalt  }
0x49: {  	_ =	shalt  }
0x4a: {  	_ =	shalt  }
0x4b: {  	_ =	shalt  }
0x4c: {  	_ =	shalt  }
0x4d: {  	_ =	shalt  }
0x4e: {  	_ =	shalt  }
0x4f: {  	_ =	shalt  }
0x50: {  	_ =	shalt  }
0x51: {  	_ =	shalt  }
0x52: {  	_ =	shalt  }
0x53: {  	_ =	shalt  }
0x54: {  	_ =	shalt  }
0x55: {  	_ =	shalt  }
0x56: {  	_ =	shalt  }
0x57: {  	_ =	shalt  }
0x58: {  	_ =	shalt  }
0x59: {  	_ =	shalt  }
0x5a: {  	_ =	shalt  }
0x5b: {  	_ =	shalt  }
0x5c: {  	_ =	shalt  }
0x5d: {  	_ =	shalt  }
0x5e: {  	_ =	shalt  }
0x5f: {  	_ =	shalt  }
0x60: {  	_ =	shalt  }
0x61: {  	_ =	shalt  }
0x62: {  	_ =	shalt  }
0x63: {  	_ =	shalt  }
0x64: {  	_ =	shalt  }
0x65: {  	_ =	shalt  }
0x66: {  	_ =	shalt  }
0x67: {  	_ =	shalt  }
0x68: {  	_ =	shalt  }
0x69: {  	_ =	shalt  }
0x6a: {  	_ =	shalt  }
0x6b: {  	_ =	shalt  }
0x6c: {  	_ =	shalt  }
0x6d: {  	_ =	shalt  }
0x6e: {  	_ =	shalt  }
0x6f: {  	_ =	shalt  }
0x70: {  	_ =	shalt  }
0x71: {  	_ =	shalt  }
0x72: {  	_ =	shalt  }
0x73: {  	_ =	shalt  }
0x74: {  	_ =	shalt  }
0x75: {  	_ =	shalt  }
0x76: {  	_ =	shalt  }
0x77: {  	_ =	shalt  }
0x78: {  	_ =	shalt  }
0x79: {  	_ =	shalt  }
0x7a: {  	_ =	shalt  }
0x7b: {  	_ =	shalt  }
0x7c: {  	_ =	shalt  }
0x7d: {  	_ =	shalt  }
0x7e: {  	_ =	shalt  }
0x7f: {  	_ =	shalt  }
0x80: {  	_ =	shalt  }
0x81: {  	_ =	shalt  }
0x82: {  	_ =	shalt  }
0x83: {  	_ =	shalt  }
0x84: {  	_ =	shalt  }
0x85: {  	_ =	shalt  }
0x86: {  	_ =	shalt  }
0x87: {  	_ =	shalt  }
.Lfunc_end0:
.L_simem_size_0:
called_computation_lowered:
.L_overlay_start_0:
0x88: {  	s2 =	sld [smem:$0x3FD9]  }
0x89: {  	s3 =	sld [smem:$0x3FFE];
	_ =	sdelay $0x1  }
0x8a: {  	s1 =	srdreg.scid  }
0x8b: {  	s0 =	sand.u32 $0x1, s1  }
0x8c: {  	s17 =	sshll.u32 s0, $0xA;
	s2 =	sadd.s32 s3, s2  }
0x8d: {  	s2 =	sadd.s32 s2, s17  }
0x8e: {  	[smem:$0x3FC2] =	sst s2  }
0x8f: {  	_ = 	snop  }
0x90: {  	s2 =	sld [smem:$0x3FC6]  }
0x91: {  	s18 =	sld [smem:$0x3FC5];
	(tm) =	ssettm $0x1  }
0x92: {  	s4 =	sld [smem:$0x3FFB];
	_ =	sdelay $0x3  }
0x93: {  	_ =	strace s4  }
0x94: {  	s4 =	sld [smem:$0x3FFC];
	_ =	sdelay $0x3  }
0x95: {  	_ =	strace s4  }
0x96: {  	s4 =	sld [smem:$0x3FFD];
	_ =	sdelay $0x3  }
0x97: {  	_ =	strace s4  }
0x98: {  	_ =	strace $0x8FFFFFFF  }
0x99: {  	s19 =	sld [smem:$0x3FDB];
	_ =	sdelay $0x1  }
0x9a: {  	s5 =	simm.s32 $_scs_section_size  }
0x9b: {  	s6 =	simm.s32 $_size__tile_overlayer_lowered;
	s7 =	simm.s32 $_tile_overlayer_lowered  }
0x9c: {  	s22 =	simm.s32 $0x1BFF;
	s21 =	sshll.u32 s7, $0x1;
	s4 =	sadd.s32 s5, s19  }
0x9d: {  	s8 =	simm.s32 $0x0;
	s20 =	sshll.u32 s6, $0x1;
	s6 =	sadd.s32 s21, s4  }
0x9e: {  	[timem:s8], [sflag:s22] =	dma.local [hbm:s6], s20  }
0x9f: {  	_ =	swait.ge [sflag:s22], s20  }
0xa0: {  	s5 =	ssub.s32 $0x0, s20;
	[sflag:s22] =	ssyncset.done $0x0  }
0xa1: {  	[sflag:s22] =	ssyncadd.s32 s5;
	_ =	sdelay $0x1  }
0xa2: {  	s23 =	simm.s32 $0x1B8B  }
0xa3: {  	_ =	swait.ge [sflag:s23], $0x1  }
0xa4: {  	[sflag:s23] =	ssyncset.done $0x0  }
0xa5: {  	s25 =	simm.s32 $0x1B8E;
	s24 =	sld [smem:$0x3FFE];
	[sflag:s23] =	ssyncadd.s32 $0xFFFFFFFF  }
0xa6: {  	s26 =	simm.s32 $execute0_lowered;
	[smem:$0x3FD2] =	sst s25  }
0xa7: {  	s6 =	sshll.u32 s26, $0x1;
	_ =	strace $0x80000046;
	[dreg:$0x1] =	wrdreg $0xFFFFFFFF  }
0xa8: {  	s28 =	simm.s32 $_size_execute0_lowered;
	s4 =	sadd.s32 s4, s6;
	[dreg:$0x0] =	wrdreg $0x0  }
0xa9: {  	s6 =	sshll.u32 s28, $0x1;
	[dreg:$0x2] =	wrdreg s4  }
0xaa: {  	[dreg:$0x3] =	wrdreg s6  }
0xab: {  	[dreg:$0x4] =	wrdreg $0xC0  }
0xac: {  	_ =	task [dreg:s8], $0x5FFFF  }
0xad: {  	[dreg:$0x1] =	wrdreg $0xFFFFFFFF  }
0xae: {  	[dreg:$0x0] =	wrdreg $0x60  }
0xaf: {  	[dreg:$0x2] =	wrdreg s24  }
0xb0: {  	[dreg:$0x3] =	wrdreg s2  }
0xb1: {  	[dreg:$0x4] =	wrdreg s18  }
0xb2: {  	[dreg:$0x5] =	wrdreg $0x9  }
0xb3: {  	_ =	task.clear_ibuf [dreg:s8], $0x6FFFF;
	_ =	strace $0x90000046  }
0xb4: {  	s29 =	simm.s32 $0x9;
	_ =	strace $0x80000048  }
0xb5: {  	_ =	swait.ge [sflag:s29], $0x1  }
0xb6: {  	[sflag:s29] =	ssyncadd.s32 $0xFFFFFFFF  }
0xb7: {  	_ =	strace $0x90000048  }
0xb8: {  	_ =	sfence  }
0xb9: {  	s30 =	sld [smem:$0x0];
	_ =	sdelay $0x2  }
0xba: {  	s31 =	sshll.u32 s1, $0xD;
	s1 =	sshrl.u32 s1, $0x2  }
0xbb: {  	s3 =	sand.u32 $0x4000, s31;
	s1 =	sadd.s32 s1, s30  }
0xbc: {  	s0 =	sor.u32 s3, s0;
	s1 =	sshll.u32 s1, $0x11  }
0xbd: {  	s0 =	sor.u32 s1, s0  }
0xbe: {  	s0 =	sadd.s32 $0x8F2B, s0  }
0xbf: {  	[sflag:s0] =	ssyncadd.remote.s32 $0x1  }
0xc0: {  	_ =	sfence.sel $0xFFFF  }
0xc1: {  	[dreg:$0x0] =	wrdreg $0xFFFFFFFF;
	(pc) =	sbr.abs _section_cstart, $3  }
0xc2: {  	[dreg:$0x1] =	wrdreg $0xFFFFFFFF  }
0xc3: {  	_ =	task.clear_ibuf [dreg:s8], $0x2FFFF;
	_ =	strace $0x9FFFFFFF  }
0xc4: {  	(tm) =	ssettm $0x7FFFFFFF  }
0xc5: {  	_ =	shalt  }
tec
execute0_lowered:
.L_overlay_start_1:
0x0: {  	(tag) =	ssettag $0x1  }
0x1: {  	s0 =	rddreg [dreg:$0x0]  }
0x2: {  	s1 =	rddreg [dreg:$0x1]  }
0x3: {  	s8 =	rddreg [dreg:$0x2]  }
0x4: {  	s3 =	srdreg.scid;
	s4 =	stileid.u32  }
0x5: {  	s2 =	simm.s32 $0x0;
	s12 =	simm.s32 $0x2;
	s14 =	simm.s32 $0x400  }
0x6: {  	s15 =	simm.s32 $0x20;
	s16 =	simm.s32 $0x2C00;
	s17 =	simm.s32 $0x3C00  }
0x7: {  	s18 =	simm.s32 $0x80;
	s19 =	simm.s32 $0x4C00;
	s20 =	simm.s32 $0x8C00  }
0x8: {  	s21 =	simm.s32 $0xCC00;
	s22 =	simm.s32 $0x10C00;
	s23 =	simm.s32 $0x14C00  }
0x9: {  	s24 =	simm.s32 $0x1;
	s25 =	simm.s32 $0x18C00;
	s26 =	simm.s32 $0x19C00  }
0xa: {  	s28 =	simm.s32 $0x0;
	s5 =	sand.u32 $0x1, s3;
	s29 =	sshll.u32 s4, $0x1  }
0xb: {  	[smem:$0x7FF] =	sst s2;
	s3 =	sadd.s32 $0x1E8FA00, s0;
	s4 =	sadd.s32 $0xB200, s0  }
0xc: {  	s10 =	sor.u32 s5, s29;
	_ =	strace $0x80000047;
	s7 =	ssub.s32 $0x2, s5  }
0xd: {  	s5 =	sadd.s32 $0xF4D600, s0;
	s6 =	smul.u32 $0x500, s10;
	s11 =	sshrl.u32 s7, $0x1  }
0xe: {  	s31 =	sshll.u32 s10, $0x6;
	s10 =	sshll.u32 s10, $0xD;
	s30 =	ssub.s32 s7, s11  }
0xf: {  	s7 =	sadd.s32 s1, s31;
	s8 =	sadd.s32 s8, s31;
	s9 =	sadd.s32 s6, s0  }
0x10: {  	s6 =	sadd.s32 $0xF8D600, s0;
	s11 =	smax.u32 s30, $0x1;
	s9 =	sadd.s32 $0x1200, s9  }
.LBB2_1:
0x11: {  	[tilespmem:s2], [sflag:$0x2] =	stream.linear.gather [hbm4b:s7+s2], $0x200, $0x38;
	[tilespmem:$0x1AC00] =	vst v63  }
0x12: {  	_ =	swait.ge [sflag:s12], $0x200  }
0x13: {  	[sflag:s12] =	ssyncset.done $0x0  }
0x14: {  	s0 =	simm.s32 $0x200;
	[sflag:s12] =	ssyncadd.s32 $0xFFFFFE00  }
0x15: {  	[tilespmem:s0], [sflag:$0x2] =	stream.linear.gather [hbm4b:s8+s2], $0x200, $0x38;
	[tilespmem:$0x1AC00] =	vst v63  }
0x16: {  	_ =	swait.ge [sflag:s12], $0x200  }
0x17: {  	[sflag:s12] =	ssyncset.done $0x0  }
0x18: {  	[sflag:s12] =	ssyncadd.s32 $0xFFFFFE00  }
0x19: {  	[tilespmem:s14], [sflag:$0x2] =	stream.linear.gather [hbm4b:s9+s2], $0x2800, $0x38;
	[tilespmem:$0x1AC00] =	vst v63  }
0x1a: {  	_ =	swait.ge [sflag:s12], $0x2800  }
0x1b: {  	[sflag:s12] =	ssyncset.done $0x0  }
0x1c: {  	s29 =	simm.s32 $0x0;
	[sflag:s12] =	ssyncadd.s32 $0xFFFFD800  }
.LBB2_2:
0x1d: {  	s0 =	sshll.u32 s29, $0x5  }
0x1e: {  	[tilespmem:s16], [sflag:$0x1] =	stream.indirect.gather [hbm4b:s3+s15], $0x80, s0, s15, $0xb8;
	[tilespmem:$0x1AC00] =	vst v63  }
0x1f: {  	s1 =	smul.u32 $0xA00, s29;
	s0 =	sadd.s32 $0x200, s0  }
0x20: {  	[tilespmem:s17], [sflag:$0x1] =	stream.indirect.gather [hbm4b:s4+s15], $0x80, s0, s15, $0xb8;
	[tilespmem:$0x1AC00] =	vst v63  }
0x21: {  	s0 =	sshra.s32 s1, $0x2  }
0x22: {  	s1 =	sadd.s32 $0x400, s0  }
0x23: {  	[tilespmem:s19], [sflag:$0x1] =	stream.indirect.gather [hbm4b:s4+s18], $0x80, s1, s18, $0xb8;
	[tilespmem:$0x1AC00] =	vst v63  }
0x24: {  	s13 =	sadd.s32 $0x480, s0  }
0x25: {  	[tilespmem:s20], [sflag:$0x1] =	stream.indirect.gather [hbm4b:s4+s18], $0x80, s13, s18, $0xb8;
	[tilespmem:$0x1AC00] =	vst v63  }
0x26: {  	s13 =	sadd.s32 $0x500, s0  }
0x27: {  	[tilespmem:s21], [sflag:$0x1] =	stream.indirect.gather [hbm4b:s4+s18], $0x80, s13, s18, $0xb8;
	[tilespmem:$0x1AC00] =	vst v63  }
0x28: {  	s13 =	sadd.s32 $0x580, s0  }
0x29: {  	[tilespmem:s22], [sflag:$0x1] =	stream.indirect.gather [hbm4b:s4+s18], $0x80, s13, s18, $0xb8;
	[tilespmem:$0x1AC00] =	vst v63  }
0x2a: {  	s0 =	sadd.s32 $0x600, s0  }
0x2b: {  	[tilespmem:s23], [sflag:$0x1] =	stream.indirect.gather [hbm4b:s4+s18], $0x80, s0, s18, $0xb8;
	[tilespmem:$0x1AC00] =	vst v63  }
0x2c: {  	_ =	swait.ge [sflag:s24], $0x1000  }
0x2d: {  	[sflag:s24] =	ssyncset.done $0x0  }
0x2e: {  	[sflag:s24] =	ssyncadd.s32 $0xFFFFF000  }
0x2f: {  	_ =	swait.ge [sflag:s24], $0x1000  }
0x30: {  	[sflag:s24] =	ssyncset.done $0x0  }
0x31: {  	[sflag:s24] =	ssyncadd.s32 $0xFFFFF000  }
0x32: {  	_ =	swait.ge [sflag:s24], $0x4000  }
0x33: {  	[sflag:s24] =	ssyncset.done $0x0  }
0x34: {  	[sflag:s24] =	ssyncadd.s32 $0xFFFFC000  }
0x35: {  	_ =	swait.ge [sflag:s24], $0x4000  }
0x36: {  	[sflag:s24] =	ssyncset.done $0x0  }
0x37: {  	[sflag:s24] =	ssyncadd.s32 $0xFFFFC000  }
0x38: {  	_ =	swait.ge [sflag:s24], $0x4000  }
0x39: {  	[sflag:s24] =	ssyncset.done $0x0  }
0x3a: {  	[sflag:s24] =	ssyncadd.s32 $0xFFFFC000  }
0x3b: {  	_ =	swait.ge [sflag:s24], $0x4000  }
0x3c: {  	[sflag:s24] =	ssyncset.done $0x0  }
0x3d: {  	[sflag:s24] =	ssyncadd.s32 $0xFFFFC000  }
0x3e: {  	_ =	swait.ge [sflag:s24], $0x4000  }
0x3f: {  	[sflag:s24] =	ssyncset.done $0x0  }
0x40: {  	s30 =	simm.s32 $0x0;
	s31 =	simm.s32 $0x4C20;
	[sflag:s24] =	ssyncadd.s32 $0xFFFFC000  }
.LBB2_3:
0x41: {  	s0 =	sshll.u32 s30, $0x7  }
0x42: {  	v0 =	vld [tilespmem:s0+$0x2C00]  }
0x43: {  	v1 =	vld [tilespmem:s0+$0x2C10]  }
0x44: {  	v4 =	vld [tilespmem:s0+$0x3C00]  }
0x45: {  	v5 =	vld [tilespmem:s0+$0x3C10]  }
0x46: {  	v2 =	vld [tilespmem:s0+$0x2C20]  }
0x47: {  	v6 =	vld [tilespmem:s0+$0x3C20]  }
0x48: {  	v3 =	vld [tilespmem:s0+$0x2C30]  }
0x49: {  	v7 =	vld [tilespmem:s0+$0x3C30]  }
0x4a: {  	v4 =	vmul.f32 v4, v0;
	v5 =	vmul.f32 v5, v1;
	_ =	sdelay $0x1  }
0x4b: {  	v4 =	vadd.f32 v5, v4;
	v5 =	vmul.f32 v6, v2;
	_ =	sdelay $0x1  }
0x4c: {  	v6 =	vmov s31;
	v4 =	vadd.f32 v5, v4;
	v5 =	vmul.f32 v7, v3;
	_ =	sdelay $0x1  }
0x4d: {  	v4 =	vadd.f32 v5, v4;
	_ =	sdelay $0x1  }
0x4e: {  	s13 =	simm.s32 $0x0;
	[tilespmem:s0+$0x18C00] =	vst v4  }
0x4f: {  	v4 =	vld.idx.msk [tilespmem:v6+s13+$0x10 ss:$0x1], $0xffff  }
0x50: {  	v7 =	vld.idx.msk [tilespmem:v6+s13+$0xFFFFFFE0 ss:$0x1], $0xffff  }
0x51: {  	v10 =	vimm.f32 $0.0e+00;
	v8 =	vld.idx.msk [tilespmem:v6+s13+$0xFFFFFFF0 ss:$0x1], $0xffff  }
0x52: {  	s1 =	simm.s32 $0x200;
	v11 =	vimm.f32 $0.0e+00;
	v12 =	vimm.f32 $0.0e+00;
	v5 =	vimm.f32 $0.0e+00;
	v9 =	vld.idx.msk [tilespmem:v6+s13+$0x0 ss:$0x1], $0xffff  }
.LBB2_4:
0x53: {  	p0 =	sne.s32 s1, $0x2600  }
.Ltmp0:
0x54: {  	s13 =	sshra.s32 s1, $0x2;
	s1 =	sadd.s32 $0x200, s1;
	(pc) =	sbr.rel @p0 .LBB2_4-.Ltmp0, $4  }
0x55: {  	v5 =	vadd.f32 v4, v5;
	v4 =	vld.idx.msk [tilespmem:v6+s13+$0x10 ss:$0x1], $0xffff  }
0x56: {  	v10 =	vadd.f32 v7, v10;
	v7 =	vld.idx.msk [tilespmem:v6+s13+$0xFFFFFFE0 ss:$0x1], $0xffff  }
0x57: {  	v11 =	vadd.f32 v8, v11;
	v8 =	vld.idx.msk [tilespmem:v6+s13+$0xFFFFFFF0 ss:$0x1], $0xffff  }
0x58: {  	v12 =	vadd.f32 v9, v12;
	v9 =	vld.idx.msk [tilespmem:v6+s13+$0x0 ss:$0x1], $0xffff  }
0x59: {  	_ =	sdelay $0x2  }
0x5a: {  	v6 =	vadd.f32 v7, v10;
	v60 =	vadd.f32 v8, v11;
	_ =	sdelay $0x1  }
0x5b: {  	v61 =	vadd.f32 v9, v12;
	v0 =	vmul.f32 v6, v0;
	v1 =	vmul.f32 v60, v1;
	_ =	sdelay $0x1  }
0x5c: {  	s30 =	sadd.s32 $0x1, s30;
	v4 =	vadd.f32 v4, v5;
	v62 =	vmul.f32 v61, v2;
	v0 =	vadd.f32 v1, v0  }
0x5d: {  	p0 =	sne.s32 s30, $0x20  }
.Ltmp1:
0x5e: {  	v63 =	vmul.f32 v4, v3;
	v0 =	vadd.f32 v62, v0;
	(pc) =	sbr.rel @p0 .LBB2_3-.Ltmp1, $3  }
0x5f: {  	_ = 	snop  }
0x60: {  	v0 =	vadd.f32 v63, v0;
	_ =	sdelay $0x1  }
0x61: {  	s31 =	sadd.s32 $0xA00, s31;
	[tilespmem:s0+$0x19C00] =	vst v0  }
0x62: {  	s0 =	sshll.u32 s29, $0x9  }
0x63: {  	s0 =	sadd.s32 s10, s0  }
0x64: {  	s1 =	sadd.s32 s5, s0  }
0x65: {  	[hbm4b:s1+s2] =	stream.linear.scatter [tilespmem:s25], [sflag:$0x2], $0x1000, $0x38;
	[tilespmem:$0x1AC00] =	vst v63  }
0x66: {  	s29 =	sadd.s32 $0x1, s29;
	_ =	swait.ge [sflag:s12], $0x1000  }
0x67: {  	p0 =	sne.s32 s29, $0x10;
	[sflag:s12] =	ssyncset.done $0x0  }
.Ltmp2:
0x68: {  	s0 =	sadd.s32 s6, s0;
	[sflag:s12] =	ssyncadd.s32 $0xFFFFF000;
	(pc) =	sbr.rel @p0 .LBB2_2-.Ltmp2, $4  }
0x69: {  	[hbm4b:s0+s2] =	stream.linear.scatter [tilespmem:s26], [sflag:$0x2], $0x1000, $0x38;
	[tilespmem:$0x1AC00] =	vst v63  }
0x6a: {  	_ =	swait.ge [sflag:s12], $0x1000  }
0x6b: {  	[sflag:s12] =	ssyncset.done $0x0  }
0x6c: {  	[sflag:s12] =	ssyncadd.s32 $0xFFFFF000  }
0x6d: {  	s28 =	sadd.s32 $0x1, s28  }
0x6e: {  	p0 =	sne.s32 s28, s11  }
.Ltmp3:
0x6f: {  	_ = 	snop;
	(pc) =	sbr.rel @p0 .LBB2_1-.Ltmp3, $1  }
0x70: {  	_ =	sdelay $0x3  }
0x71: {  	_ =	sfence.sel $0x180000  }
0x72: {  	[bflag:$0x0] =	sbarrier.arrive $0xFFFF  }
0x73: {  	_ =	strace $0x90000047  }
0x74: {  	s0 =	stileid.u32;
	[bflag:$0x2] =	sbarrier.arrive $0xFFFF  }
0x75: {  	p0 =	sne.s32 s0, $0x0;
	s0 =	rddreg [dreg:$0x3]  }
0x76: {  	s0 =	sadd.s32 @!p0 $0x100000, s0  }
0x77: {  	[sflag:s0] =	ssyncadd.tile.s32 @!p0 $0x1;
	_ =	shalt  }
.Lfunc_end2:
_tile_overlayer_lowered:
.L_overlay_start_2:
0x78: {  	(tag) =	ssettag $0x2  }
0x79: {  	s0 =	rddreg [dreg:$0x0];
	s2 =	stileid.u32  }
0x7a: {  	s1 =	rddreg [dreg:$0x1];
	p0 =	sne.s32 s2, $0x0  }
0x7b: {  	s3 =	rddreg [dreg:$0x2];
	[bflag:$0x3] =	sbarrier.arrive $0xFFFF;
	s2 =	simm.s32 @!p0 $0x1C02  }
0x7c: {  	[timem:s3], [sflag:s2] =	dma.local @!p0 [hbm:s0], s1  }
0x7d: {  	s0 =	simm.s32 @!p0 $0x2  }
0x7e: {  	_ =	swait.ge @!p0 [sflag:s0], s1  }
0x7f: {  	s1 =	ssub.s32 @!p0 $0x0, s1;
	[sflag:s0] =	ssyncset.done @!p0 $0x0  }
0x80: {  	[sflag:s0] =	ssyncadd.s32 @!p0 s1  }
0x81: {  	[bflag:$0x3] =	sbarrier.arrive $0xFFFF  }
0x82: {  	_ =	shalt  }

// kernel: kernel.8.cloned.1.call-start
scs
__scs_entry_jumppad:
0x0: {  	(pc) =	sbr.rel $0x88, $3  }
0x1: {  	(tag) =	ssettag $0x0;
	lr =	simm.s32 $0x1  }
0x2: {  	[smem:$0x3F9B] =	sst lr;
	_ =	strace $0xD0000000  }
0x3: {  	_ = 	snop  }
0x4: {  	_ = 	snop  }
0x5: {  	_ = 	snop  }
0x6: {  	_ = 	snop  }
0x7: {  	_ = 	snop  }
__scs_overlays_trampoline_lowered:
0x8: {  	[smem:$0x3FAA] =	sst s0  }
0x9: {  	[smem:$0x3FAB] =	sst s1  }
0xa: {  	[smem:$0x3FAC] =	sst s2  }
0xb: {  	[smem:$0x3FAD] =	sst s3  }
0xc: {  	[smem:$0x3FAE] =	sst s4  }
0xd: {  	[smem:$0x3FAF] =	sst s5  }
0xe: {  	[smem:$0x3FB0] =	sst s6  }
0xf: {  	[smem:$0x3FB1] =	sst s7  }
0x10: {  	[smem:$0x3FB2] =	sst s8  }
0x11: {  	[smem:$0x3FB3] =	sst s9;
	s0 =	simm.s32 @!p0 $0x0  }
0x12: {  	s1 =	sld [smem:$0x3F99];
	s0 =	simm.s32 @p0 $0x1  }
0x13: {  	[smem:$0x3FB4] =	sst s0;
	s0 =	simm.s32 @!p1 $0x0  }
0x14: {  	s2 =	sld [smem:$0x3F98];
	s0 =	simm.s32 @p1 $0x1  }
0x15: {  	[smem:$0x3FB5] =	sst s0;
	s0 =	simm.s32 @!p2 $0x0  }
0x16: {  	s3 =	sld [smem:$0x3FDB];
	s0 =	simm.s32 @p2 $0x1  }
0x17: {  	s4 =	simm.s32 $0x1BF5;
	[smem:$0x3FB7] =	sst s0  }
0x18: {  	s0 =	sld [smem:$0x3F9A];
	_ =	swait.ge [sflag:s4], $0x0  }
0x19: {  	s7 =	sld [smem:$0x3F9B]  }
0x1a: {  	s8 =	sadd.s32 $0xFFFFE003, lr  }
0x1b: {  	s9 =	sadd.s32 $0xFFFFFEF7, lr;
	s5 =	simm.s32 $0xFFFFFFFF;
	p2 =	slt.u32 s8, $0xFFFFF086  }
0x1c: {  	p1 =	slt.u32 s9, $0xF7A;
	s5 =	simm.s32 @!p2 $0x0  }
0x1d: {  	s5 =	simm.s32 @p1 $0x1;
	p0 =	seq.s32 s7, s2  }
0x1e: {  	s7 =	smul.u32 @!p0 $0xF7A, s2;
	p2 =	seq.s32 @!p0 s5, $0x0  }
0x1f: {  	s9 =	smul.u32 $0xF7A, s1;
	s8 =	simm.s32 @!p0 $0x1BF5;
	p2 =	por !p2, p0  }
0x20: {  	[sflag:s8] =	ssyncset.s32 @!p0 $0xFFFFF086;
	s6 =	sadd.s32 @!p0 s3, s7;
	s7 =	simm.s32 @!p0 $0x108  }
0x21: {  	s3 =	sadd.s32 s3, s9;
	s6 =	sadd.s32 @!p0 $0x88, s6;
	s7 =	simm.s32 @p2 $0x1082  }
0x22: {  	[simem:s7], [sflag:s8] =	dma.local @!p0 [hbm:s6], $0xF7A  }
0x23: {  	s9 =	sor.u32 $0xD0000000, s2;
	s6 =	simm.s32 $0x108;
	_ =	swait.ge @!p0 [sflag:s8], $0x0  }
0x24: {  	s3 =	sadd.s32 $0x88, s3;
	s6 =	simm.s32 @!p1 $0x1082;
	[sflag:s4] =	ssyncset.s32 $0xFFFFF086  }
0x25: {  	[simem:s6], [sflag:s4] =	dma.local [hbm:s3], $0xF7A  }
0x26: {  	[smem:$0x3F9B] =	sst s1;
	(tag) =	ssettag s2;
	_ =	strace s9  }
0x27: {  	s1 =	sld [smem:$0x3FAB]  }
0x28: {  	s2 =	sld [smem:$0x3FAC]  }
0x29: {  	s4 =	sld [smem:$0x3FAE]  }
0x2a: {  	p0 =	seq.s32 s5, $0x0;
	s5 =	sld [smem:$0x3FAF]  }
0x2b: {  	s6 =	sld [smem:$0x3FB0]  }
0x2c: {  	s7 =	sld [smem:$0x3FB1]  }
0x2d: {  	s3 =	simm.s32 $0x108;
	s8 =	sld [smem:$0x3FB2]  }
0x2e: {  	s3 =	simm.s32 @!p0 $0x1082;
	s9 =	sld [smem:$0x3FB3]  }
0x2f: {  	lr =	sadd.s32 s0, s3;
	s0 =	sld [smem:$0x3FAA]  }
0x30: {  	s3 =	sld [smem:$0x3FAD]  }
0x31: {  	[smem:$0x3FB6] =	sst s10  }
0x32: {  	s10 =	sld [smem:$0x3FB4];
	_ =	sdelay $0x3  }
0x33: {  	p0 =	seq.s32 s10, $0x1;
	s10 =	sld [smem:$0x3FB6];
	_ =	sdelay $0x3  }
0x34: {  	[smem:$0x3FB6] =	sst s10  }
0x35: {  	s10 =	sld [smem:$0x3FB5];
	_ =	sdelay $0x3  }
0x36: {  	p1 =	seq.s32 s10, $0x1;
	s10 =	sld [smem:$0x3FB6];
	_ =	sdelay $0x3  }
0x37: {  	[smem:$0x3FB6] =	sst s10  }
0x38: {  	s10 =	sld [smem:$0x3FB7]  }
0x39: {  	_ = 	snop;
	(pc) =	sbr.ind lr, $3  }
0x3a: {  	_ = 	snop  }
0x3b: {  	_ = 	snop  }
0x3c: {  	p2 =	seq.s32 s10, $0x1;
	s10 =	sld [smem:$0x3FB6]  }
0x3d: {  	_ =	shalt  }
0x3e: {  	_ =	shalt  }
0x3f: {  	_ =	shalt  }
0x40: {  	_ =	shalt  }
0x41: {  	_ =	shalt  }
0x42: {  	_ =	shalt  }
0x43: {  	_ =	shalt  }
0x44: {  	_ =	shalt  }
0x45: {  	_ =	shalt  }
0x46: {  	_ =	shalt  }
0x47: {  	_ =	shalt  }
0x48: {  	_ =	shalt  }
0x49: {  	_ =	shalt  }
0x4a: {  	_ =	shalt  }
0x4b: {  	_ =	shalt  }
0x4c: {  	_ =	shalt  }
0x4d: {  	_ =	shalt  }
0x4e: {  	_ =	shalt  }
0x4f: {  	_ =	shalt  }
0x50: {  	_ =	shalt  }
0x51: {  	_ =	shalt  }
0x52: {  	_ =	shalt  }
0x53: {  	_ =	shalt  }
0x54: {  	_ =	shalt  }
0x55: {  	_ =	shalt  }
0x56: {  	_ =	shalt  }
0x57: {  	_ =	shalt  }
0x58: {  	_ =	shalt  }
0x59: {  	_ =	shalt  }
0x5a: {  	_ =	shalt  }
0x5b: {  	_ =	shalt  }
0x5c: {  	_ =	shalt  }
0x5d: {  	_ =	shalt  }
0x5e: {  	_ =	shalt  }
0x5f: {  	_ =	shalt  }
0x60: {  	_ =	shalt  }
0x61: {  	_ =	shalt  }
0x62: {  	_ =	shalt  }
0x63: {  	_ =	shalt  }
0x64: {  	_ =	shalt  }
0x65: {  	_ =	shalt  }
0x66: {  	_ =	shalt  }
0x67: {  	_ =	shalt  }
0x68: {  	_ =	shalt  }
0x69: {  	_ =	shalt  }
0x6a: {  	_ =	shalt  }
0x6b: {  	_ =	shalt  }
0x6c: {  	_ =	shalt  }
0x6d: {  	_ =	shalt  }
0x6e: {  	_ =	shalt  }
0x6f: {  	_ =	shalt  }
0x70: {  	_ =	shalt  }
0x71: {  	_ =	shalt  }
0x72: {  	_ =	shalt  }
0x73: {  	_ =	shalt  }
0x74: {  	_ =	shalt  }
0x75: {  	_ =	shalt  }
0x76: {  	_ =	shalt  }
0x77: {  	_ =	shalt  }
0x78: {  	_ =	shalt  }
0x79: {  	_ =	shalt  }
0x7a: {  	_ =	shalt  }
0x7b: {  	_ =	shalt  }
0x7c: {  	_ =	shalt  }
0x7d: {  	_ =	shalt  }
0x7e: {  	_ =	shalt  }
0x7f: {  	_ =	shalt  }
0x80: {  	_ =	shalt  }
0x81: {  	_ =	shalt  }
0x82: {  	_ =	shalt  }
0x83: {  	_ =	shalt  }
0x84: {  	_ =	shalt  }
0x85: {  	_ =	shalt  }
0x86: {  	_ =	shalt  }
0x87: {  	_ =	shalt  }
.Lfunc_end0:
.L_simem_size_0:
called_computation.1_lowered:
.L_overlay_start_0:
0x88: {  	s2 =	sld [smem:$0x3FD9]  }
0x89: {  	s3 =	sld [smem:$0x3FFE];
	_ =	sdelay $0x1  }
0x8a: {  	s1 =	srdreg.scid  }
0x8b: {  	s0 =	sand.u32 $0x1, s1  }
0x8c: {  	s17 =	sshll.u32 s0, $0xA;
	s2 =	sadd.s32 s3, s2  }
0x8d: {  	s2 =	sadd.s32 s2, s17  }
0x8e: {  	[smem:$0x3FC2] =	sst s2  }
0x8f: {  	_ = 	snop  }
0x90: {  	s18 =	sld [smem:$0x3FC6];
	(tm) =	ssettm $0x1  }
0x91: {  	s19 =	sld [smem:$0x3FFB];
	_ =	sdelay $0x3  }
0x92: {  	_ =	strace s19  }
0x93: {  	s2 =	sld [smem:$0x3FFC];
	_ =	sdelay $0x3  }
0x94: {  	_ =	strace s2  }
0x95: {  	s2 =	sld [smem:$0x3FFD];
	_ =	sdelay $0x3  }
0x96: {  	_ =	strace s2  }
0x97: {  	_ =	strace $0x8FFFFFFF  }
0x98: {  	s20 =	sld [smem:$0x3FDB];
	_ =	sdelay $0x1  }
0x99: {  	s4 =	simm.s32 $_scs_section_size  }
0x9a: {  	s5 =	simm.s32 $_size__tile_overlayer_lowered;
	s6 =	simm.s32 $_tile_overlayer_lowered  }
0x9b: {  	s7 =	simm.s32 $0x1BFF;
	s21 =	sshll.u32 s6, $0x1;
	s4 =	sadd.s32 s4, s20  }
0x9c: {  	s22 =	simm.s32 $0x0;
	s5 =	sshll.u32 s5, $0x1;
	s6 =	sadd.s32 s21, s4  }
0x9d: {  	[timem:s22], [sflag:s7] =	dma.local [hbm:s6], s5  }
0x9e: {  	_ =	swait.ge [sflag:s7], s5  }
0x9f: {  	s5 =	ssub.s32 $0x0, s5;
	[sflag:s7] =	ssyncset.done $0x0  }
0xa0: {  	[sflag:s7] =	ssyncadd.s32 s5;
	_ =	sdelay $0x1  }
0xa1: {  	s23 =	simm.s32 $0x1B8B  }
0xa2: {  	_ =	swait.ge [sflag:s23], $0x1  }
0xa3: {  	[sflag:s23] =	ssyncset.done $0x0  }
0xa4: {  	[sflag:s23] =	ssyncadd.s32 $0xFFFFFFFF  }
0xa5: {  	s5 =	sld [smem:$0x0]  }
0xa6: {  	s6 =	sand.u32 $0xFFFFFFFE, s1  }
0xa7: {  	p0 =	sne.s32 s1, s6  }
0xa8: {  	s6 =	sshll.u32 @p0 s6, $0xE  }
0xa9: {  	s6 =	sadd.s32 @p0 $0x11B8D, s6;
	s7 =	sshll.u32 @p0 s5, $0x11  }
0xaa: {  	s6 =	sor.u32 @p0 s7, s6  }
0xab: {  	[sflag:s6] =	ssyncadd.remote.s32 @p0 $0x1;
	_ =	sdelay $0x1  }
0xac: {  	s6 =	simm.s32 @p0 $0x1B8D  }
0xad: {  	_ =	swait.eq @p0 [sflag:s6], $0x1  }
0xae: {  	[sflag:s6] =	ssyncadd.s32 @p0 $0xFFFFFFFF  }
0xaf: {  	s7 =	sshll.u32 @!p0 s1, $0xE  }
0xb0: {  	s7 =	sor.u32 @!p0 $0x4000, s7;
	s6 =	simm.s32 @!p0 $0x1B8D  }
0xb1: {  	s5 =	sshll.u32 @!p0 s5, $0x11;
	s7 =	sadd.s32 @!p0 $0x11B8D, s7;
	_ =	swait.eq @!p0 [sflag:s6], $0x1  }
0xb2: {  	s5 =	sor.u32 @!p0 s5, s7;
	[sflag:s6] =	ssyncadd.s32 @!p0 $0xFFFFFFFF  }
0xb3: {  	s25 =	simm.s32 $0x1B8E;
	s24 =	sld [smem:$0x3FFE];
	[sflag:s5] =	ssyncadd.remote.s32 @!p0 $0x1  }
0xb4: {  	s26 =	simm.s32 $execute0_lowered;
	[smem:$0x3FD2] =	sst s25  }
0xb5: {  	s6 =	sshll.u32 s26, $0x1;
	_ =	strace $0x80000049;
	[dreg:$0x1] =	wrdreg $0xFFFFFFFF  }
0xb6: {  	s28 =	simm.s32 $_size_execute0_lowered;
	s4 =	sadd.s32 s4, s6;
	[dreg:$0x0] =	wrdreg $0x0  }
0xb7: {  	s6 =	sshll.u32 s28, $0x1;
	[dreg:$0x2] =	wrdreg s4  }
0xb8: {  	[dreg:$0x3] =	wrdreg s6  }
0xb9: {  	[dreg:$0x4] =	wrdreg $0xC0  }
0xba: {  	_ =	task [dreg:s22], $0x5FFFF  }
0xbb: {  	[dreg:$0x1] =	wrdreg $0xFFFFFFFF  }
0xbc: {  	[dreg:$0x0] =	wrdreg $0x60  }
0xbd: {  	[dreg:$0x2] =	wrdreg s24  }
0xbe: {  	[dreg:$0x3] =	wrdreg s18  }
0xbf: {  	[dreg:$0x4] =	wrdreg $0xA  }
0xc0: {  	_ =	task.clear_ibuf [dreg:s22], $0x5FFFF;
	_ =	strace $0x90000049  }
0xc1: {  	s29 =	simm.s32 $0xA;
	_ =	strace $0x8000004B  }
0xc2: {  	_ =	swait.ge [sflag:s29], $0x1  }
0xc3: {  	[sflag:s29] =	ssyncadd.s32 $0xFFFFFFFF  }
0xc4: {  	_ =	strace $0x9000004B  }
0xc5: {  	_ =	sfence  }
0xc6: {  	s30 =	sld [smem:$0x0];
	_ =	sdelay $0x2  }
0xc7: {  	s31 =	sshll.u32 s1, $0xD;
	s1 =	sshrl.u32 s1, $0x2  }
0xc8: {  	s4 =	sand.u32 $0x4000, s31;
	s1 =	sadd.s32 s1, s30  }
0xc9: {  	s0 =	sor.u32 s4, s0;
	s1 =	sshll.u32 s1, $0x11  }
0xca: {  	s0 =	sor.u32 s1, s0  }
0xcb: {  	s0 =	sadd.s32 $0x8F2B, s0  }
0xcc: {  	[sflag:s0] =	ssyncadd.remote.s32 $0x1  }
0xcd: {  	_ =	sfence.sel $0xFFFF  }
0xce: {  	[dreg:$0x0] =	wrdreg $0xFFFFFFFF;
	(pc) =	sbr.abs _section_cstart, $3  }
0xcf: {  	[dreg:$0x1] =	wrdreg $0xFFFFFFFF  }
0xd0: {  	_ =	task.clear_ibuf [dreg:s22], $0x2FFFF;
	_ =	strace $0x9FFFFFFF  }
0xd1: {  	(tm) =	ssettm $0x7FFFFFFF  }
tec
execute0_lowered:
.L_overlay_start_1:
0x0: {  	(tag) =	ssettag $0x1  }
0x1: {  	s5 =	rddreg [dreg:$0x0]  }
0x2: {  	s6 =	rddreg [dreg:$0x1]  }
0x3: {  	s0 =	rddreg [dreg:$0x2];
	s2 =	simm.s32 $0x0;
	s4 =	srdreg.scid  }
0x4: {  	s1 =	stileid.u32;
	s11 =	simm.s32 $0x2200;
	s12 =	simm.s32 $0x4200  }
0x5: {  	s13 =	simm.s32 $0x6200;
	s14 =	simm.s32 $0x1;
	s15 =	simm.s32 $0x2  }
0x6: {  	s16 =	simm.s32 $0x8200;
	s17 =	simm.s32 $0x0;
	[smem:$0x7FF] =	sst s2  }
0x7: {  	s3 =	sadd.s32 $0x1E8FA00, s5;
	s7 =	sand.u32 $0x1, s4;
	s8 =	sshll.u32 s1, $0x1  }
0x8: {  	s4 =	sadd.s32 $0x3D14200, s5;
	s8 =	sor.u32 s7, s8;
	s7 =	ssub.s32 $0x2, s7  }
0x9: {  	_ =	strace $0x8000004A;
	s9 =	sshll.u32 s8, $0x4;
	s10 =	sshrl.u32 s7, $0x1  }
0xa: {  	s8 =	sshll.u32 s8, $0x6;
	s9 =	sadd.s32 s9, s5;
	s7 =	ssub.s32 s7, s10  }
0xb: {  	s5 =	sadd.s32 s6, s8;
	s8 =	simm.s32 $0x3;
	s10 =	simm.s32 $0x200  }
0xc: {  	s6 =	sadd.s32 $0xFCD600, s9;
	s7 =	smax.u32 s7, $0x1;
	s9 =	simm.s32 $0x40  }
.LBB2_1:
0xd: {  	[tilespmem:s2], [sflag:$0x3] =	stream.linear.gather [hbm4b:s5+s2], $0x200, $0x38;
	[tilespmem:$0x8280] =	vst v63  }
0xe: {  	_ =	swait.ge [sflag:s8], $0x200  }
0xf: {  	[sflag:s8] =	ssyncset.done $0x0  }
0x10: {  	[sflag:s8] =	ssyncadd.s32 $0xFFFFFE00  }
0x11: {  	[tilespmem:s10], [sflag:$0x1] =	stream.indirect.gather [hbm4b:s3+s9], $0x80, s2, s9, $0xb8;
	[tilespmem:$0x8280] =	vst v63  }
0x12: {  	s18 =	simm.s32 $0x0  }
0x13: {  	v0 =	vimm.f32 $0.0e+00;
	[tilespmem:s11], [sflag:$0x1] =	stream.indirect.gather [hbm4b:s4+s9], $0x80, s2, s9, $0xb8;
	[tilespmem:$0x8280] =	vst v63  }
.LBB2_2:
0x14: {  	s19 =	sshll.u32 s18, $0x7  }
0x15: {  	s19 =	sand.u32 $0x3FFFFF80, s19  }
0x16: {  	s19 =	sor.u32 $0x40, s19  }
0x17: {  	[tilespmem:s12], [sflag:$0x2] =	stream.indirect.gather [hbm4b:s3+s9], $0x80, s19, s9, $0xb8;
	[tilespmem:$0x8280] =	vst v63  }
0x18: {  	_ = 	snop  }
0x19: {  	[tilespmem:s13], [sflag:$0x2] =	stream.indirect.gather [hbm4b:s4+s9], $0x80, s19, s9, $0xb8;
	[tilespmem:$0x8280] =	vst v63  }
0x1a: {  	_ =	swait.ge [sflag:s14], $0x2000  }
0x1b: {  	[sflag:s14] =	ssyncset.done $0x0  }
0x1c: {  	[sflag:s14] =	ssyncadd.s32 $0xFFFFE000  }
0x1d: {  	_ =	swait.ge [sflag:s14], $0x2000  }
0x1e: {  	[sflag:s14] =	ssyncset.done $0x0  }
0x1f: {  	s20 =	simm.s32 $0x0;
	[sflag:s14] =	ssyncadd.s32 $0xFFFFE000  }
0x20: {  	v2 =	vld [tilespmem:s20+$0x200]  }
0x21: {  	v4 =	vld [tilespmem:s20+$0x2200]  }
0x22: {  	v6 =	vld [tilespmem:s20+$0x210]  }
0x23: {  	v8 =	vld [tilespmem:s20+$0x2210]  }
0x24: {  	v3 =	vld [tilespmem:s20+$0x220]  }
0x25: {  	v5 =	vld [tilespmem:s20+$0x2220]  }
0x26: {  	v1 =	vld [tilespmem:s20+$0x230];
	v7 =	vsub.f32 v2, v4  }
0x27: {  	s19 =	simm.s32 $0x80;
	v4 =	vld [tilespmem:s20+$0x2230]  }
0x28: {  	v2 =	vld [tilespmem:s19+$0x200];
	s20 =	simm.s32 $0x400;
	v6 =	vsub.f32 v6, v8;
	v7 =	vand.u32 $0x7FFFFFFF, v7  }
.LBB2_3:
0x29: {  	p0 =	sne.s32 s20, $0x7E00;
	v8 =	vld [tilespmem:s19+$0x2200];
	v0 =	vadd.f32 v7, v0  }
0x2a: {  	v9 =	vld [tilespmem:s19+$0x210];
	v6 =	vand.u32 $0x7FFFFFFF, v6;
	v5 =	vsub.f32 v3, v5  }
0x2b: {  	v10 =	vld [tilespmem:s19+$0x2210];
	v0 =	vadd.f32 v6, v0  }
.Ltmp0:
0x2c: {  	v3 =	vld [tilespmem:s19+$0x220];
	v6 =	vand.u32 $0x7FFFFFFF, v5;
	v4 =	vsub.f32 v1, v4;
	(pc) =	sbr.rel @p0 .LBB2_3-.Ltmp0, $4  }
0x2d: {  	v5 =	vld [tilespmem:s19+$0x2220];
	v0 =	vadd.f32 v6, v0  }
0x2e: {  	v1 =	vld [tilespmem:s19+$0x230];
	v6 =	vsub.f32 v2, v8;
	v2 =	vand.u32 $0x7FFFFFFF, v4  }
0x2f: {  	v4 =	vld [tilespmem:s19+$0x2230];
	s19 =	sshra.s32 s20, $0x2;
	v0 =	vadd.f32 v2, v0  }
0x30: {  	s20 =	sadd.s32 $0x200, s20;
	v2 =	vld [tilespmem:s19+$0x200];
	v7 =	vand.u32 $0x7FFFFFFF, v6;
	v6 =	vsub.f32 v9, v10  }
0x31: {  	v8 =	vld [tilespmem:s19+$0x2200]  }
0x32: {  	v9 =	vld [tilespmem:s19+$0x210]  }
0x33: {  	v10 =	vld [tilespmem:s19+$0x2210];
	s20 =	sshll.u32 s18, $0x1  }
0x34: {  	v11 =	vld [tilespmem:s19+$0x220];
	s20 =	smin.u32 s20, $0x5  }
0x35: {  	v12 =	vld [tilespmem:s19+$0x2220];
	s20 =	sshll.u32 s20, $0x6  }
0x36: {  	v13 =	vld [tilespmem:s19+$0x230];
	s30 =	sadd.s32 $0x80, s20  }
0x37: {  	v14 =	vld [tilespmem:s19+$0x2230];
	[tilespmem:s10], [sflag:$0x1] =	stream.indirect.gather [hbm4b:s3+s9], $0x80, s30, s9, $0xb8  }
0x38: {  	_ = 	snop  }
0x39: {  	v0 =	vadd.f32 v7, v0;
	[tilespmem:s11], [sflag:$0x1] =	stream.indirect.gather [hbm4b:s4+s9], $0x80, s30, s9, $0xb8;
	[tilespmem:$0x8280] =	vst v63  }
0x3a: {  	v3 =	vsub.f32 v3, v5;
	v5 =	vand.u32 $0x7FFFFFFF, v6;
	_ =	swait.ge [sflag:s15], $0x2000  }
0x3b: {  	v0 =	vadd.f32 v5, v0;
	[sflag:s15] =	ssyncset.done $0x0  }
0x3c: {  	v1 =	vsub.f32 v1, v4;
	v3 =	vand.u32 $0x7FFFFFFF, v3;
	[sflag:s15] =	ssyncadd.s32 $0xFFFFE000  }
0x3d: {  	v0 =	vadd.f32 v3, v0;
	_ =	swait.ge [sflag:s15], $0x2000  }
0x3e: {  	v2 =	vsub.f32 v2, v8;
	v1 =	vand.u32 $0x7FFFFFFF, v1;
	[sflag:s15] =	ssyncset.done $0x0  }
0x3f: {  	s31 =	simm.s32 $0x0;
	v0 =	vadd.f32 v1, v0;
	[sflag:s15] =	ssyncadd.s32 $0xFFFFE000  }
0x40: {  	v1 =	vand.u32 $0x7FFFFFFF, v2;
	v2 =	vsub.f32 v9, v10;
	v4 =	vld [tilespmem:s31+$0x4200]  }
0x41: {  	v0 =	vadd.f32 v1, v0;
	v5 =	vld [tilespmem:s31+$0x6200]  }
0x42: {  	v1 =	vand.u32 $0x7FFFFFFF, v2;
	v2 =	vsub.f32 v11, v12;
	v6 =	vld [tilespmem:s31+$0x4210]  }
0x43: {  	v1 =	vadd.f32 v1, v0;
	v8 =	vld [tilespmem:s31+$0x6210]  }
0x44: {  	v7 =	vsub.f32 v13, v14;
	v2 =	vand.u32 $0x7FFFFFFF, v2;
	v0 =	vld [tilespmem:s31+$0x4220]  }
0x45: {  	v2 =	vadd.f32 v2, v1;
	v3 =	vld [tilespmem:s31+$0x6220]  }
0x46: {  	v1 =	vld [tilespmem:s31+$0x4230];
	v63 =	vsub.f32 v4, v5;
	v5 =	vand.u32 $0x7FFFFFFF, v7  }
0x47: {  	s19 =	simm.s32 $0x80;
	v4 =	vld [tilespmem:s31+$0x6230];
	v5 =	vadd.f32 v5, v2  }
0x48: {  	s20 =	simm.s32 $0x400;
	v6 =	vsub.f32 v6, v8;
	v2 =	vld [tilespmem:s19+$0x4200];
	v7 =	vand.u32 $0x7FFFFFFF, v63  }
.LBB2_5:
0x49: {  	p0 =	sne.s32 s20, $0x7E00;
	v8 =	vld [tilespmem:s19+$0x6200];
	v5 =	vadd.f32 v7, v5  }
0x4a: {  	v9 =	vld [tilespmem:s19+$0x4210];
	v6 =	vand.u32 $0x7FFFFFFF, v6;
	v3 =	vsub.f32 v0, v3  }
0x4b: {  	v10 =	vld [tilespmem:s19+$0x6210];
	v5 =	vadd.f32 v6, v5  }
.Ltmp1:
0x4c: {  	v0 =	vld [tilespmem:s19+$0x4220];
	v6 =	vand.u32 $0x7FFFFFFF, v3;
	v4 =	vsub.f32 v1, v4;
	(pc) =	sbr.rel @p0 .LBB2_5-.Ltmp1, $4  }
0x4d: {  	v3 =	vld [tilespmem:s19+$0x6220];
	v5 =	vadd.f32 v6, v5  }
0x4e: {  	v1 =	vld [tilespmem:s19+$0x4230];
	v6 =	vsub.f32 v2, v8;
	v2 =	vand.u32 $0x7FFFFFFF, v4  }
0x4f: {  	v4 =	vld [tilespmem:s19+$0x6230];
	s19 =	sshra.s32 s20, $0x2;
	v5 =	vadd.f32 v2, v5  }
0x50: {  	s20 =	sadd.s32 $0x200, s20;
	v2 =	vld [tilespmem:s19+$0x4200];
	v7 =	vand.u32 $0x7FFFFFFF, v6;
	v6 =	vsub.f32 v9, v10  }
0x51: {  	v8 =	vld [tilespmem:s19+$0x6200];
	v5 =	vadd.f32 v7, v5  }
0x52: {  	v59 =	vld [tilespmem:s19+$0x4210];
	v6 =	vand.u32 $0x7FFFFFFF, v6;
	v0 =	vsub.f32 v0, v3  }
0x53: {  	v3 =	vld [tilespmem:s19+$0x6210];
	v5 =	vadd.f32 v6, v5  }
0x54: {  	v60 =	vld [tilespmem:s19+$0x4220];
	v0 =	vand.u32 $0x7FFFFFFF, v0;
	v1 =	vsub.f32 v1, v4  }
0x55: {  	v61 =	vld [tilespmem:s19+$0x6220];
	v0 =	vadd.f32 v0, v5  }
0x56: {  	v62 =	vld [tilespmem:s19+$0x4230];
	v2 =	vsub.f32 v2, v8;
	v1 =	vand.u32 $0x7FFFFFFF, v1  }
0x57: {  	v63 =	vld [tilespmem:s19+$0x6230];
	v0 =	vadd.f32 v1, v0  }
0x58: {  	v1 =	vand.u32 $0x7FFFFFFF, v2;
	v2 =	vsub.f32 v59, v3  }
0x59: {  	v0 =	vadd.f32 v1, v0  }
0x5a: {  	s18 =	sadd.s32 $0x1, s18;
	v1 =	vand.u32 $0x7FFFFFFF, v2;
	v2 =	vsub.f32 v60, v61  }
0x5b: {  	p0 =	sne.s32 s18, $0x4;
	v0 =	vadd.f32 v1, v0  }
.Ltmp2:
0x5c: {  	v1 =	vand.u32 $0x7FFFFFFF, v2;
	v2 =	vsub.f32 v62, v63;
	(pc) =	sbr.rel @p0 .LBB2_2-.Ltmp2, $3  }
0x5d: {  	v0 =	vadd.f32 v1, v0  }
0x5e: {  	v1 =	vand.u32 $0x7FFFFFFF, v2  }
0x5f: {  	v0 =	vadd.f32 v1, v0;
	_ =	sdelay $0x1  }
0x60: {  	_ =	swait.ge [sflag:s14], $0x2000  }
0x61: {  	[sflag:s14] =	ssyncset.done $0x0  }
0x62: {  	[sflag:s14] =	ssyncadd.s32 $0xFFFFE000  }
0x63: {  	_ =	swait.ge [sflag:s14], $0x2000  }
0x64: {  	s17 =	sadd.s32 $0x1, s17;
	[sflag:s14] =	ssyncset.done $0x0  }
0x65: {  	p0 =	sne.s32 s17, s7;
	[sflag:s14] =	ssyncadd.s32 $0xFFFFE000  }
.Ltmp3:
0x66: {  	[tilespmem:$0x8200] =	vst v0;
	(pc) =	sbr.rel @p0 .LBB2_1-.Ltmp3, $4  }
0x67: {  	[hbm4b:s6+s2] =	stream.linear.scatter [tilespmem:s16], [sflag:$0x3], $0x80, $0x38;
	[tilespmem:$0x8280] =	vst v63  }
0x68: {  	_ =	swait.ge [sflag:s8], $0x80  }
0x69: {  	[sflag:s8] =	ssyncset.done $0x0  }
0x6a: {  	[sflag:s8] =	ssyncadd.s32 $0xFFFFFF80  }
0x6b: {  	_ =	sfence.sel $0x180000  }
0x6c: {  	[bflag:$0x0] =	sbarrier.arrive $0xFFFF  }
0x6d: {  	p0 =	sne.s32 s1, $0x0;
	_ =	strace $0x9000004A  }
0x6e: {  	s0 =	sadd.s32 @!p0 $0x100000, s0;
	[bflag:$0x2] =	sbarrier.arrive $0xFFFF  }
0x6f: {  	[sflag:s0] =	ssyncadd.tile.s32 @!p0 $0x1;
	_ =	shalt  }
.Lfunc_end2:
_tile_overlayer_lowered:
.L_overlay_start_2:
0x70: {  	(tag) =	ssettag $0x2  }
0x71: {  	s0 =	rddreg [dreg:$0x0];
	s2 =	stileid.u32  }
0x72: {  	s1 =	rddreg [dreg:$0x1];
	p0 =	sne.s32 s2, $0x0  }
0x73: {  	s3 =	rddreg [dreg:$0x2];
	[bflag:$0x3] =	sbarrier.arrive $0xFFFF;
	s2 =	simm.s32 @!p0 $0x1C03  }
0x74: {  	[timem:s3], [sflag:s2] =	dma.local @!p0 [hbm:s0], s1  }
0x75: {  	s0 =	simm.s32 @!p0 $0x3  }
0x76: {  	_ =	swait.ge @!p0 [sflag:s0], s1  }
0x77: {  	s1 =	ssub.s32 @!p0 $0x0, s1;
	[sflag:s0] =	ssyncset.done @!p0 $0x0  }
0x78: {  	[sflag:s0] =	ssyncadd.s32 @!p0 s1  }
0x79: {  	[bflag:$0x3] =	sbarrier.arrive $0xFFFF  }
0x7a: {  	_ =	shalt  }

</sc_bundles>
